<compile_context>
chip_gen: v7x
topology: tpu7x:2x2x1
jax: 0.10.2.dev20260603
libtpu: 0.0.44.dev20260713+nightly
codegen_flags: <defaults>
</compile_context>

<pallas_src>
import functools

import jax
import jax.numpy as jnp
from jax import lax
from jax.experimental import pallas as pl
from jax.experimental.pallas import tpu as pltpu
from jax.experimental.pallas import tpu_sc as plsc

_EPOCHS = 200
_DECAY_W = 1.0
_TH = 0.8
_INCREMENT = 0.5 / _EPOCHS
_CO_LAMBDA = 0.1

_R = 256


def _phase1_kernel(y1_ref, y2_ref, l1_ref, l2_ref, m1_ref, m2_ref,
                   condpre_ref, s_ref):
    y1 = y1_ref[...]
    y2 = y2_ref[...]

    C = y1.shape[1]
    ones_c = jnp.ones((C, 1), jnp.float32)

    m1 = jnp.max(y1, axis=1, keepdims=True)
    m2 = jnp.max(y2, axis=1, keepdims=True)
    e1 = jnp.exp(y1 - m1)
    e2 = jnp.exp(y2 - m2)
    s1 = jnp.dot(e1, ones_c, preferred_element_type=jnp.float32)
    s2 = jnp.dot(e2, ones_c, preferred_element_type=jnp.float32)
    l1 = jnp.log(s1)
    l2 = jnp.log(s2)

    agree = jnp.dot(
        jnp.where(y1 == m1, e2, 0.0), ones_c,
        preferred_element_type=jnp.float32,
    )

    pmax_prod = (1.0 / s1) * (1.0 / s2)
    condpre = jnp.logical_and(agree == 1.0, pmax_prod > _TH * _TH)

    d = y1 - y2
    S1 = jnp.dot(e1 * d, ones_c, preferred_element_type=jnp.float32)
    S2 = jnp.dot(e2 * d, ones_c, preferred_element_type=jnp.float32)
    s_row = S1 / s1 - S2 / s2

    l1_ref[0] = l1.T
    l2_ref[0] = l2.T
    m1_ref[0] = m1.T
    m2_ref[0] = m2.T
    condpre_ref[0] = condpre.astype(jnp.float32).T
    s_ref[0] = s_row.T


def _sc_gather_kernel(y1f_hbm, y2f_hbm, idx_hbm, o1_hbm, o2_hbm,
                      idx_v, v1_v, v2_v, sem1, sem2):
    nc = 2
    wid = lax.axis_index("s") * nc + lax.axis_index("c")
    base = wid * 512
    for j in range(4):
        off = base + j * 128
        pltpu.sync_copy(idx_hbm.at[pl.ds(off, 128)], idx_v)
        c1 = pltpu.async_copy(y1f_hbm.at[idx_v], v1_v, sem1)
        c2 = pltpu.async_copy(y2f_hbm.at[idx_v], v2_v, sem2)
        c1.wait()
        c2.wait()
        pltpu.sync_copy(v1_v, o1_hbm.at[pl.ds(off, 128)])
        pltpu.sync_copy(v2_v, o2_hbm.at[pl.ds(off, 128)])


def _phase2_kernel(l1_ref, l2_ref, m1_ref, m2_ref, condpre_ref, s_ref,
                   y1t_ref, y2t_ref, kfloor_ref, out_ref):
    l1 = l1_ref[...]
    l2 = l2_ref[...]
    m1 = m1_ref[...]
    m2 = m2_ref[...]
    y1t = y1t_ref[...]
    y2t = y2t_ref[...]
    loss = (l1 - (y1t - m1)) + (l2 - (y2t - m2))
    dc = l1 + l2
    RR, CC = loss.shape
    n = RR * CC
    n_f = jnp.float32(n)

    sum_loss = jnp.sum(loss)
    mean_v = sum_loss / n_f
    n_small = jnp.sum((loss < mean_v).astype(jnp.int32))
    k = jnp.maximum(kfloor_ref[0, 0], n_small)

    bits = jax.lax.bitcast_convert_type(loss, jnp.int32)

    def body(_, carry):
        lo, hi = carry
        mid = lo + (hi - lo) // 2
        c = jnp.sum((bits <= mid).astype(jnp.int32))
        pred = c >= k
        return jnp.where(pred, lo, mid + 1), jnp.where(pred, mid, hi)

    _, vbits = jax.lax.fori_loop(
        0, 31, body, (jnp.int32(0), jnp.int32(0x7F800000))
    )

    count_less = jnp.sum((bits < vbits).astype(jnp.int32))
    eq = bits == vbits
    need = (k - count_less).astype(jnp.float32)

    eqf = eq.astype(jnp.float32)
    r0 = jax.lax.broadcasted_iota(jnp.int32, (RR, CC), 0)
    c1 = jax.lax.broadcasted_iota(jnp.int32, (RR, CC), 1)
    lower_incl = (r0 <= c1).astype(jnp.float32)
    strict_lower = (c1 < r0).astype(jnp.float32)
    incl = jnp.dot(eqf, lower_incl, preferred_element_type=jnp.float32)
    rowtot = incl[:, CC - 1 : CC]
    offs = jnp.dot(strict_lower, rowtot, preferred_element_type=jnp.float32)
    eq_before = incl - eqf + offs

    in_update = (bits < vbits) | (eq & (eq_before < need))

    flat_idx = r0 * CC + c1
    upd1 = jnp.logical_and(jnp.logical_not(in_update), flat_idx >= 1)
    condb = jnp.logical_and(condpre_ref[...] > 0.5, y1t != m1)

    loss_clean = jnp.sum(jnp.where(in_update, loss, 0.0))
    loss_dc = jnp.sum(jnp.where(jnp.logical_and(upd1, condb), dc, 0.0))
    loss1 = jnp.sum(
        jnp.where(jnp.logical_and(upd1, jnp.logical_not(condb)), loss, 0.0)
    )
    inter = jnp.sum(s_ref[...])

    out_ref[0, 0] = (
        loss_clean + loss_dc + _DECAY_W * loss1
    ) / n_f + _CO_LAMBDA * (inter / n_f)


def kernel(y_1, y_2, t, epoch):
    N, C = y_1.shape
    G = N // _R

    flat_idx = jnp.arange(N, dtype=jnp.int32) * C + t

    mesh = plsc.VectorSubcoreMesh(core_axis_name="c", subcore_axis_name="s")
    sc_gather = functools.partial(
        pl.kernel,
        mesh=mesh,
        out_type=[jax.ShapeDtypeStruct((N,), jnp.float32)] * 2,
        scratch_types=[
            pltpu.VMEM((128,), jnp.int32),
            pltpu.VMEM((128,), jnp.float32),
            pltpu.VMEM((128,), jnp.float32),
            pltpu.SemaphoreType.DMA,
            pltpu.SemaphoreType.DMA,
        ],
    )(_sc_gather_kernel)
    y1t, y2t = sc_gather(y_1.reshape(-1), y_2.reshape(-1), flat_idx)

    row_shape = jax.ShapeDtypeStruct((G, 1, _R), jnp.float32)
    l1, l2, m1, m2, condpre, s = pl.pallas_call(
        _phase1_kernel,
        grid=(G,),
        in_specs=[
            pl.BlockSpec((_R, C), lambda i: (i, 0)),
            pl.BlockSpec((_R, C), lambda i: (i, 0)),
        ],
        out_specs=[pl.BlockSpec((1, 1, _R), lambda i: (i, 0, 0))] * 6,
        out_shape=[row_shape] * 6,
        compiler_params=pltpu.CompilerParams(
            dimension_semantics=("parallel",)
        ),
    )(y_1, y_2)

    RR = 128
    CC = N // RR
    args2 = [a.reshape(RR, CC) for a in (l1, l2, m1, m2, condpre, s, y1t, y2t)]

    remember_rate = 1.0 - _INCREMENT * epoch
    kfloor = jnp.floor(remember_rate * N).astype(jnp.int32).reshape(1, 1)

    out = pl.pallas_call(
        _phase2_kernel,
        in_specs=[pl.BlockSpec((RR, CC), lambda: (0, 0))] * 8
        + [pl.BlockSpec(memory_space=pltpu.SMEM)],
        out_specs=pl.BlockSpec(memory_space=pltpu.SMEM),
        out_shape=jax.ShapeDtypeStruct((1, 1), jnp.float32),
    )(*args2, kfloor)

    return out.reshape(())

# --- scband reference (transcript-rebuilt; emitter-appended) ---
"""Pipeline reference for scband-orilabeled-divided-loss-76407468196113 (READ-ONLY COPY).

The authoritative reference and input builder live on the scoring server;
editing this copy changes nothing except your own understanding.
"""

import jax, jax.numpy as jnp
import numpy as np

EPOCHS = 200
DECAY_W = 1.0
TH = 0.8
INCREMENT = 0.5 / EPOCHS
CO_LAMBDA = 0.1


def _ce(logits, labels):
    logp = jax.nn.log_softmax(logits, axis=1)
    return -jnp.take_along_axis(logp, labels[:, None], axis=1)[:, 0]


def _kl(pred, soft_targets, temperature=1.0):
    p = pred / temperature
    s = soft_targets / temperature
    logp = jax.nn.log_softmax(p, axis=1)
    q = jax.nn.softmax(s, axis=1)
    kl = q * (jnp.log(q) - logp)
    return jnp.mean(jnp.sum(kl, axis=1))


def setup_inputs(seed: int = 0):
    key = jax.random.key(seed)
    k1, k2, k3 = jax.random.split(key, 3)
    N, C = 16384, 1024
    y_1 = jax.random.normal(k1, (N, C), dtype=jnp.float32)
    y_2 = jax.random.normal(k2, (N, C), dtype=jnp.float32)
    t = jax.random.randint(k3, (N,), 0, C, dtype=jnp.int32)
    return {"y_1": y_1, "y_2": y_2, "t": t, "epoch": 50}


def reference(y_1, y_2, t, epoch):
    N = y_1.shape[0]
    loss_pick = _ce(y_1, t) + _ce(y_2, t)
    ind_sorted = jnp.argsort(loss_pick)
    loss_sorted = loss_pick[ind_sorted]
    forget_rate = INCREMENT * epoch
    remember_rate = 1.0 - forget_rate
    mean_v = loss_sorted.mean()
    n_small = jnp.sum(loss_sorted < mean_v).astype(jnp.int32)
    num_remember = jnp.maximum(
        jnp.floor(remember_rate * loss_sorted.shape[0]).astype(jnp.int32),
        n_small,
    )
    sorted_pos = jnp.arange(N, dtype=jnp.int32)
    loss_clean = jnp.sum(jnp.where(sorted_pos < num_remember, loss_sorted, 0.0)) / N
    inv_rank = jnp.zeros(N, dtype=jnp.int32).at[ind_sorted].set(sorted_pos)
    in_update = inv_rank < num_remember
    idx = jnp.arange(N, dtype=jnp.int32)
    update_1_mask = (idx >= 1) & (~in_update)
    p_1 = jax.nn.softmax(y_1, axis=-1)
    p_2 = jax.nn.softmax(y_2, axis=-1)
    pred1 = jnp.argmax(y_1, axis=1)
    pred2 = jnp.argmax(y_2, axis=1)
    cond = (pred1 != t) & (pred1 == pred2) & (p_1.max(axis=1) * p_2.max(axis=1) > TH ** 2)
    dc_mask = update_1_mask & cond
    pseudo = pred1
    ce_dc = _ce(y_1, pseudo) + _ce(y_2, pseudo)
    loss_dc = jnp.sum(jnp.where(dc_mask, ce_dc, 0.0)) / N
    remain_mask = update_1_mask & (~cond)
    loss1 = jnp.sum(jnp.where(remain_mask, loss_pick, 0.0)) / N
    inter_view_loss = _kl(y_1, y_2) + _kl(y_2, y_1)
    return loss_clean + loss_dc + DECAY_W * loss1 + CO_LAMBDA * inter_view_loss

if __name__ == "__main__":
    import jax
    _d = setup_inputs()
    print(jax.jit(kernel)(*tuple(_d.values())))

</pallas_src>

<mosaic_0001>
#map = affine_map<(d0, d1) -> (0)>
module attributes {stable_mosaic.version = 14 : i64} {
  func.func @_sc_gather_kernel(%arg0: i32, %arg1: i32, %arg2: memref<16777216xf32, #tpu.memory_space<hbm>>, %arg3: memref<16777216xf32, #tpu.memory_space<hbm>>, %arg4: memref<16384xi32, #tpu.memory_space<hbm>>, %arg5: memref<16384xf32, #tpu.memory_space<hbm>>, %arg6: memref<16384xf32, #tpu.memory_space<hbm>>, %arg7: memref<128xi32, #tpu.memory_space<vmem>>, %arg8: memref<128xf32, #tpu.memory_space<vmem>>, %arg9: memref<128xf32, #tpu.memory_space<vmem>>, %arg10: memref<!tpu.dma_semaphore, #tpu.memory_space<semaphore_mem>>, %arg11: memref<!tpu.dma_semaphore, #tpu.memory_space<semaphore_mem>>) attributes {dimension_semantics = [#tpu.dimension_semantics<core_parallel>, #tpu.dimension_semantics<subcore_parallel>], iteration_bounds = array<i64: 2, 16>, scalar_prefetch = 0 : i64, scratch_operands = 5 : i64, tpu.core_type = #tpu.core_type<sc_vector_subcore>, window_params = [{transform_indices = #map}, {transform_indices = #map}, {transform_indices = #map}, {transform_indices = #map}, {transform_indices = #map}]} {
    %mul3A = arith.constant 2 : i32
    %mul3A_0 = arith.muli %arg1, %mul3A : i32
    %add3A = arith.addi %mul3A_0, %arg0 : i32
    %mul3A_1 = arith.constant 512 : i32
    %mul3A_2 = arith.muli %add3A, %mul3A_1 : i32
    %add3A_3 = arith.constant 0 : i32
    %add3A_4 = arith.addi %mul3A_2, %add3A_3 : i32
    "tpu.region"() ({
      %run_scoped3A = tpu.sem_alloc : memref<!tpu.dma_semaphore, #tpu.memory_space<semaphore_mem>>
      %dma_start3A_41 = tpu.memref_slice %arg4[%add3A_4] : memref<16384xi32, #tpu.memory_space<hbm>> -> memref<128xi32, #tpu.memory_space<hbm>>
      %dma_start3A_42 = tpu.memref_slice %arg4[%add3A_4] : memref<16384xi32, #tpu.memory_space<hbm>> -> memref<128xi32, #tpu.memory_space<hbm>>
      tpu.enqueue_dma source(%dma_start3A_42 : memref<128xi32, #tpu.memory_space<hbm>>) target(%arg7 : memref<128xi32, #tpu.memory_space<vmem>>) target_semaphore(%run_scoped3A : memref<!tpu.dma_semaphore, #tpu.memory_space<semaphore_mem>>)
      %dma_wait3A_43 = tpu.memref_slice %arg4[%add3A_4] : memref<16384xi32, #tpu.memory_space<hbm>> -> memref<128xi32, #tpu.memory_space<hbm>>
      %dma_wait3A_44 = tpu.memref_slice %arg4[%add3A_4] : memref<16384xi32, #tpu.memory_space<hbm>> -> memref<128xi32, #tpu.memory_space<hbm>>
      tpu.wait_dma2 semaphore(%run_scoped3A : memref<!tpu.dma_semaphore, #tpu.memory_space<semaphore_mem>>) src(%dma_wait3A_44 : memref<128xi32, #tpu.memory_space<hbm>>) dst(%arg7 : memref<128xi32, #tpu.memory_space<vmem>>)
      tpu.yield
    }) : () -> ()
    %dma_start3A = arith.constant 0 : i32
    %dma_start3A_5 = tpu.memref_slice %arg2[%dma_start3A] : memref<16777216xf32, #tpu.memory_space<hbm>> -> memref<16777216xf32, #tpu.memory_space<hbm>>
    tpu.enqueue_indirect_dma source(%dma_start3A_5 : memref<16777216xf32, #tpu.memory_space<hbm>>) target(%arg8 : memref<128xf32, #tpu.memory_space<vmem>>) offsets(%arg7 : memref<128xi32, #tpu.memory_space<vmem>>) semaphore(%arg10 : memref<!tpu.dma_semaphore, #tpu.memory_space<semaphore_mem>>)
    %dma_start3A_6 = arith.constant 0 : i32
    %dma_start3A_7 = tpu.memref_slice %arg3[%dma_start3A_6] : memref<16777216xf32, #tpu.memory_space<hbm>> -> memref<16777216xf32, #tpu.memory_space<hbm>>
    tpu.enqueue_indirect_dma source(%dma_start3A_7 : memref<16777216xf32, #tpu.memory_space<hbm>>) target(%arg9 : memref<128xf32, #tpu.memory_space<vmem>>) offsets(%arg7 : memref<128xi32, #tpu.memory_space<vmem>>) semaphore(%arg11 : memref<!tpu.dma_semaphore, #tpu.memory_space<semaphore_mem>>)
    %dma_wait3A = arith.constant 0 : i32
    %dma_wait3A_8 = tpu.memref_slice %arg2[%dma_wait3A] : memref<16777216xf32, #tpu.memory_space<hbm>> -> memref<16777216xf32, #tpu.memory_space<hbm>>
    tpu.wait_indirect_dma semaphore(%arg10 : memref<!tpu.dma_semaphore, #tpu.memory_space<semaphore_mem>>) src(%dma_wait3A_8 : memref<16777216xf32, #tpu.memory_space<hbm>>) dst(%arg8 : memref<128xf32, #tpu.memory_space<vmem>>)
    %dma_wait3A_9 = arith.constant 0 : i32
    %dma_wait3A_10 = tpu.memref_slice %arg3[%dma_wait3A_9] : memref<16777216xf32, #tpu.memory_space<hbm>> -> memref<16777216xf32, #tpu.memory_space<hbm>>
    tpu.wait_indirect_dma semaphore(%arg11 : memref<!tpu.dma_semaphore, #tpu.memory_space<semaphore_mem>>) src(%dma_wait3A_10 : memref<16777216xf32, #tpu.memory_space<hbm>>) dst(%arg9 : memref<128xf32, #tpu.memory_space<vmem>>)
    "tpu.region"() ({
      %run_scoped3A = tpu.sem_alloc : memref<!tpu.dma_semaphore, #tpu.memory_space<semaphore_mem>>
      %dma_start3A_41 = tpu.memref_slice %arg5[%add3A_4] : memref<16384xf32, #tpu.memory_space<hbm>> -> memref<128xf32, #tpu.memory_space<hbm>>
      %dma_start3A_42 = tpu.memref_slice %arg5[%add3A_4] : memref<16384xf32, #tpu.memory_space<hbm>> -> memref<128xf32, #tpu.memory_space<hbm>>
      tpu.enqueue_dma source(%arg8 : memref<128xf32, #tpu.memory_space<vmem>>) target(%dma_start3A_42 : memref<128xf32, #tpu.memory_space<hbm>>) target_semaphore(%run_scoped3A : memref<!tpu.dma_semaphore, #tpu.memory_space<semaphore_mem>>)
      %dma_wait3A_43 = tpu.memref_slice %arg5[%add3A_4] : memref<16384xf32, #tpu.memory_space<hbm>> -> memref<128xf32, #tpu.memory_space<hbm>>
      %dma_wait3A_44 = tpu.memref_slice %arg5[%add3A_4] : memref<16384xf32, #tpu.memory_space<hbm>> -> memref<128xf32, #tpu.memory_space<hbm>>
      tpu.wait_dma2 semaphore(%run_scoped3A : memref<!tpu.dma_semaphore, #tpu.memory_space<semaphore_mem>>) src(%arg8 : memref<128xf32, #tpu.memory_space<vmem>>) dst(%dma_wait3A_44 : memref<128xf32, #tpu.memory_space<hbm>>)
      tpu.yield
    }) : () -> ()
    "tpu.region"() ({
      %run_scoped3A = tpu.sem_alloc : memref<!tpu.dma_semaphore, #tpu.memory_space<semaphore_mem>>
      %dma_start3A_41 = tpu.memref_slice %arg6[%add3A_4] : memref<16384xf32, #tpu.memory_space<hbm>> -> memref<128xf32, #tpu.memory_space<hbm>>
      %dma_start3A_42 = tpu.memref_slice %arg6[%add3A_4] : memref<16384xf32, #tpu.memory_space<hbm>> -> memref<128xf32, #tpu.memory_space<hbm>>
      tpu.enqueue_dma source(%arg9 : memref<128xf32, #tpu.memory_space<vmem>>) target(%dma_start3A_42 : memref<128xf32, #tpu.memory_space<hbm>>) target_semaphore(%run_scoped3A : memref<!tpu.dma_semaphore, #tpu.memory_space<semaphore_mem>>)
      %dma_wait3A_43 = tpu.memref_slice %arg6[%add3A_4] : memref<16384xf32, #tpu.memory_space<hbm>> -> memref<128xf32, #tpu.memory_space<hbm>>
      %dma_wait3A_44 = tpu.memref_slice %arg6[%add3A_4] : memref<16384xf32, #tpu.memory_space<hbm>> -> memref<128xf32, #tpu.memory_space<hbm>>
      tpu.wait_dma2 semaphore(%run_scoped3A : memref<!tpu.dma_semaphore, #tpu.memory_space<semaphore_mem>>) src(%arg9 : memref<128xf32, #tpu.memory_space<vmem>>) dst(%dma_wait3A_44 : memref<128xf32, #tpu.memory_space<hbm>>)
      tpu.yield
    }) : () -> ()
    %add3A_11 = arith.constant 128 : i32
    %add3A_12 = arith.addi %mul3A_2, %add3A_11 : i32
    "tpu.region"() ({
      %run_scoped3A = tpu.sem_alloc : memref<!tpu.dma_semaphore, #tpu.memory_space<semaphore_mem>>
      %dma_start3A_41 = tpu.memref_slice %arg4[%add3A_12] : memref<16384xi32, #tpu.memory_space<hbm>> -> memref<128xi32, #tpu.memory_space<hbm>>
      %dma_start3A_42 = tpu.memref_slice %arg4[%add3A_12] : memref<16384xi32, #tpu.memory_space<hbm>> -> memref<128xi32, #tpu.memory_space<hbm>>
      tpu.enqueue_dma source(%dma_start3A_42 : memref<128xi32, #tpu.memory_space<hbm>>) target(%arg7 : memref<128xi32, #tpu.memory_space<vmem>>) target_semaphore(%run_scoped3A : memref<!tpu.dma_semaphore, #tpu.memory_space<semaphore_mem>>)
      %dma_wait3A_43 = tpu.memref_slice %arg4[%add3A_12] : memref<16384xi32, #tpu.memory_space<hbm>> -> memref<128xi32, #tpu.memory_space<hbm>>
      %dma_wait3A_44 = tpu.memref_slice %arg4[%add3A_12] : memref<16384xi32, #tpu.memory_space<hbm>> -> memref<128xi32, #tpu.memory_space<hbm>>
      tpu.wait_dma2 semaphore(%run_scoped3A : memref<!tpu.dma_semaphore, #tpu.memory_space<semaphore_mem>>) src(%dma_wait3A_44 : memref<128xi32, #tpu.memory_space<hbm>>) dst(%arg7 : memref<128xi32, #tpu.memory_space<vmem>>)
      tpu.yield
    }) : () -> ()
    %dma_start3A_13 = arith.constant 0 : i32
    %dma_start3A_14 = tpu.memref_slice %arg2[%dma_start3A_13] : memref<16777216xf32, #tpu.memory_space<hbm>> -> memref<16777216xf32, #tpu.memory_space<hbm>>
    tpu.enqueue_indirect_dma source(%dma_start3A_14 : memref<16777216xf32, #tpu.memory_space<hbm>>) target(%arg8 : memref<128xf32, #tpu.memory_space<vmem>>) offsets(%arg7 : memref<128xi32, #tpu.memory_space<vmem>>) semaphore(%arg10 : memref<!tpu.dma_semaphore, #tpu.memory_space<semaphore_mem>>)
    %dma_start3A_15 = arith.constant 0 : i32
    %dma_start3A_16 = tpu.memref_slice %arg3[%dma_start3A_15] : memref<16777216xf32, #tpu.memory_space<hbm>> -> memref<16777216xf32, #tpu.memory_space<hbm>>
    tpu.enqueue_indirect_dma source(%dma_start3A_16 : memref<16777216xf32, #tpu.memory_space<hbm>>) target(%arg9 : memref<128xf32, #tpu.memory_space<vmem>>) offsets(%arg7 : memref<128xi32, #tpu.memory_space<vmem>>) semaphore(%arg11 : memref<!tpu.dma_semaphore, #tpu.memory_space<semaphore_mem>>)
    %dma_wait3A_17 = arith.constant 0 : i32
    %dma_wait3A_18 = tpu.memref_slice %arg2[%dma_wait3A_17] : memref<16777216xf32, #tpu.memory_space<hbm>> -> memref<16777216xf32, #tpu.memory_space<hbm>>
    tpu.wait_indirect_dma semaphore(%arg10 : memref<!tpu.dma_semaphore, #tpu.memory_space<semaphore_mem>>) src(%dma_wait3A_18 : memref<16777216xf32, #tpu.memory_space<hbm>>) dst(%arg8 : memref<128xf32, #tpu.memory_space<vmem>>)
    %dma_wait3A_19 = arith.constant 0 : i32
    %dma_wait3A_20 = tpu.memref_slice %arg3[%dma_wait3A_19] : memref<16777216xf32, #tpu.memory_space<hbm>> -> memref<16777216xf32, #tpu.memory_space<hbm>>
    tpu.wait_indirect_dma semaphore(%arg11 : memref<!tpu.dma_semaphore, #tpu.memory_space<semaphore_mem>>) src(%dma_wait3A_20 : memref<16777216xf32, #tpu.memory_space<hbm>>) dst(%arg9 : memref<128xf32, #tpu.memory_space<vmem>>)
    "tpu.region"() ({
      %run_scoped3A = tpu.sem_alloc : memref<!tpu.dma_semaphore, #tpu.memory_space<semaphore_mem>>
      %dma_start3A_41 = tpu.memref_slice %arg5[%add3A_12] : memref<16384xf32, #tpu.memory_space<hbm>> -> memref<128xf32, #tpu.memory_space<hbm>>
      %dma_start3A_42 = tpu.memref_slice %arg5[%add3A_12] : memref<16384xf32, #tpu.memory_space<hbm>> -> memref<128xf32, #tpu.memory_space<hbm>>
      tpu.enqueue_dma source(%arg8 : memref<128xf32, #tpu.memory_space<vmem>>) target(%dma_start3A_42 : memref<128xf32, #tpu.memory_space<hbm>>) target_semaphore(%run_scoped3A : memref<!tpu.dma_semaphore, #tpu.memory_space<semaphore_mem>>)
      %dma_wait3A_43 = tpu.memref_slice %arg5[%add3A_12] : memref<16384xf32, #tpu.memory_space<hbm>> -> memref<128xf32, #tpu.memory_space<hbm>>
      %dma_wait3A_44 = tpu.memref_slice %arg5[%add3A_12] : memref<16384xf32, #tpu.memory_space<hbm>> -> memref<128xf32, #tpu.memory_space<hbm>>
      tpu.wait_dma2 semaphore(%run_scoped3A : memref<!tpu.dma_semaphore, #tpu.memory_space<semaphore_mem>>) src(%arg8 : memref<128xf32, #tpu.memory_space<vmem>>) dst(%dma_wait3A_44 : memref<128xf32, #tpu.memory_space<hbm>>)
      tpu.yield
    }) : () -> ()
    "tpu.region"() ({
      %run_scoped3A = tpu.sem_alloc : memref<!tpu.dma_semaphore, #tpu.memory_space<semaphore_mem>>
      %dma_start3A_41 = tpu.memref_slice %arg6[%add3A_12] : memref<16384xf32, #tpu.memory_space<hbm>> -> memref<128xf32, #tpu.memory_space<hbm>>
      %dma_start3A_42 = tpu.memref_slice %arg6[%add3A_12] : memref<16384xf32, #tpu.memory_space<hbm>> -> memref<128xf32, #tpu.memory_space<hbm>>
      tpu.enqueue_dma source(%arg9 : memref<128xf32, #tpu.memory_space<vmem>>) target(%dma_start3A_42 : memref<128xf32, #tpu.memory_space<hbm>>) target_semaphore(%run_scoped3A : memref<!tpu.dma_semaphore, #tpu.memory_space<semaphore_mem>>)
      %dma_wait3A_43 = tpu.memref_slice %arg6[%add3A_12] : memref<16384xf32, #tpu.memory_space<hbm>> -> memref<128xf32, #tpu.memory_space<hbm>>
      %dma_wait3A_44 = tpu.memref_slice %arg6[%add3A_12] : memref<16384xf32, #tpu.memory_space<hbm>> -> memref<128xf32, #tpu.memory_space<hbm>>
      tpu.wait_dma2 semaphore(%run_scoped3A : memref<!tpu.dma_semaphore, #tpu.memory_space<semaphore_mem>>) src(%arg9 : memref<128xf32, #tpu.memory_space<vmem>>) dst(%dma_wait3A_44 : memref<128xf32, #tpu.memory_space<hbm>>)
      tpu.yield
    }) : () -> ()
    %add3A_21 = arith.constant 256 : i32
    %add3A_22 = arith.addi %mul3A_2, %add3A_21 : i32
    "tpu.region"() ({
      %run_scoped3A = tpu.sem_alloc : memref<!tpu.dma_semaphore, #tpu.memory_space<semaphore_mem>>
      %dma_start3A_41 = tpu.memref_slice %arg4[%add3A_22] : memref<16384xi32, #tpu.memory_space<hbm>> -> memref<128xi32, #tpu.memory_space<hbm>>
      %dma_start3A_42 = tpu.memref_slice %arg4[%add3A_22] : memref<16384xi32, #tpu.memory_space<hbm>> -> memref<128xi32, #tpu.memory_space<hbm>>
      tpu.enqueue_dma source(%dma_start3A_42 : memref<128xi32, #tpu.memory_space<hbm>>) target(%arg7 : memref<128xi32, #tpu.memory_space<vmem>>) target_semaphore(%run_scoped3A : memref<!tpu.dma_semaphore, #tpu.memory_space<semaphore_mem>>)
      %dma_wait3A_43 = tpu.memref_slice %arg4[%add3A_22] : memref<16384xi32, #tpu.memory_space<hbm>> -> memref<128xi32, #tpu.memory_space<hbm>>
      %dma_wait3A_44 = tpu.memref_slice %arg4[%add3A_22] : memref<16384xi32, #tpu.memory_space<hbm>> -> memref<128xi32, #tpu.memory_space<hbm>>
      tpu.wait_dma2 semaphore(%run_scoped3A : memref<!tpu.dma_semaphore, #tpu.memory_space<semaphore_mem>>) src(%dma_wait3A_44 : memref<128xi32, #tpu.memory_space<hbm>>) dst(%arg7 : memref<128xi32, #tpu.memory_space<vmem>>)
      tpu.yield
    }) : () -> ()
    %dma_start3A_23 = arith.constant 0 : i32
    %dma_start3A_24 = tpu.memref_slice %arg2[%dma_start3A_23] : memref<16777216xf32, #tpu.memory_space<hbm>> -> memref<16777216xf32, #tpu.memory_space<hbm>>
    tpu.enqueue_indirect_dma source(%dma_start3A_24 : memref<16777216xf32, #tpu.memory_space<hbm>>) target(%arg8 : memref<128xf32, #tpu.memory_space<vmem>>) offsets(%arg7 : memref<128xi32, #tpu.memory_space<vmem>>) semaphore(%arg10 : memref<!tpu.dma_semaphore, #tpu.memory_space<semaphore_mem>>)
    %dma_start3A_25 = arith.constant 0 : i32
    %dma_start3A_26 = tpu.memref_slice %arg3[%dma_start3A_25] : memref<16777216xf32, #tpu.memory_space<hbm>> -> memref<16777216xf32, #tpu.memory_space<hbm>>
    tpu.enqueue_indirect_dma source(%dma_start3A_26 : memref<16777216xf32, #tpu.memory_space<hbm>>) target(%arg9 : memref<128xf32, #tpu.memory_space<vmem>>) offsets(%arg7 : memref<128xi32, #tpu.memory_space<vmem>>) semaphore(%arg11 : memref<!tpu.dma_semaphore, #tpu.memory_space<semaphore_mem>>)
    %dma_wait3A_27 = arith.constant 0 : i32
    %dma_wait3A_28 = tpu.memref_slice %arg2[%dma_wait3A_27] : memref<16777216xf32, #tpu.memory_space<hbm>> -> memref<16777216xf32, #tpu.memory_space<hbm>>
    tpu.wait_indirect_dma semaphore(%arg10 : memref<!tpu.dma_semaphore, #tpu.memory_space<semaphore_mem>>) src(%dma_wait3A_28 : memref<16777216xf32, #tpu.memory_space<hbm>>) dst(%arg8 : memref<128xf32, #tpu.memory_space<vmem>>)
    %dma_wait3A_29 = arith.constant 0 : i32
    %dma_wait3A_30 = tpu.memref_slice %arg3[%dma_wait3A_29] : memref<16777216xf32, #tpu.memory_space<hbm>> -> memref<16777216xf32, #tpu.memory_space<hbm>>
    tpu.wait_indirect_dma semaphore(%arg11 : memref<!tpu.dma_semaphore, #tpu.memory_space<semaphore_mem>>) src(%dma_wait3A_30 : memref<16777216xf32, #tpu.memory_space<hbm>>) dst(%arg9 : memref<128xf32, #tpu.memory_space<vmem>>)
    "tpu.region"() ({
      %run_scoped3A = tpu.sem_alloc : memref<!tpu.dma_semaphore, #tpu.memory_space<semaphore_mem>>
      %dma_start3A_41 = tpu.memref_slice %arg5[%add3A_22] : memref<16384xf32, #tpu.memory_space<hbm>> -> memref<128xf32, #tpu.memory_space<hbm>>
      %dma_start3A_42 = tpu.memref_slice %arg5[%add3A_22] : memref<16384xf32, #tpu.memory_space<hbm>> -> memref<128xf32, #tpu.memory_space<hbm>>
      tpu.enqueue_dma source(%arg8 : memref<128xf32, #tpu.memory_space<vmem>>) target(%dma_start3A_42 : memref<128xf32, #tpu.memory_space<hbm>>) target_semaphore(%run_scoped3A : memref<!tpu.dma_semaphore, #tpu.memory_space<semaphore_mem>>)
      %dma_wait3A_43 = tpu.memref_slice %arg5[%add3A_22] : memref<16384xf32, #tpu.memory_space<hbm>> -> memref<128xf32, #tpu.memory_space<hbm>>
      %dma_wait3A_44 = tpu.memref_slice %arg5[%add3A_22] : memref<16384xf32, #tpu.memory_space<hbm>> -> memref<128xf32, #tpu.memory_space<hbm>>
      tpu.wait_dma2 semaphore(%run_scoped3A : memref<!tpu.dma_semaphore, #tpu.memory_space<semaphore_mem>>) src(%arg8 : memref<128xf32, #tpu.memory_space<vmem>>) dst(%dma_wait3A_44 : memref<128xf32, #tpu.memory_space<hbm>>)
      tpu.yield
    }) : () -> ()
    "tpu.region"() ({
      %run_scoped3A = tpu.sem_alloc : memref<!tpu.dma_semaphore, #tpu.memory_space<semaphore_mem>>
      %dma_start3A_41 = tpu.memref_slice %arg6[%add3A_22] : memref<16384xf32, #tpu.memory_space<hbm>> -> memref<128xf32, #tpu.memory_space<hbm>>
      %dma_start3A_42 = tpu.memref_slice %arg6[%add3A_22] : memref<16384xf32, #tpu.memory_space<hbm>> -> memref<128xf32, #tpu.memory_space<hbm>>
      tpu.enqueue_dma source(%arg9 : memref<128xf32, #tpu.memory_space<vmem>>) target(%dma_start3A_42 : memref<128xf32, #tpu.memory_space<hbm>>) target_semaphore(%run_scoped3A : memref<!tpu.dma_semaphore, #tpu.memory_space<semaphore_mem>>)
      %dma_wait3A_43 = tpu.memref_slice %arg6[%add3A_22] : memref<16384xf32, #tpu.memory_space<hbm>> -> memref<128xf32, #tpu.memory_space<hbm>>
      %dma_wait3A_44 = tpu.memref_slice %arg6[%add3A_22] : memref<16384xf32, #tpu.memory_space<hbm>> -> memref<128xf32, #tpu.memory_space<hbm>>
      tpu.wait_dma2 semaphore(%run_scoped3A : memref<!tpu.dma_semaphore, #tpu.memory_space<semaphore_mem>>) src(%arg9 : memref<128xf32, #tpu.memory_space<vmem>>) dst(%dma_wait3A_44 : memref<128xf32, #tpu.memory_space<hbm>>)
      tpu.yield
    }) : () -> ()
    %add3A_31 = arith.constant 384 : i32
    %add3A_32 = arith.addi %mul3A_2, %add3A_31 : i32
    "tpu.region"() ({
      %run_scoped3A = tpu.sem_alloc : memref<!tpu.dma_semaphore, #tpu.memory_space<semaphore_mem>>
      %dma_start3A_41 = tpu.memref_slice %arg4[%add3A_32] : memref<16384xi32, #tpu.memory_space<hbm>> -> memref<128xi32, #tpu.memory_space<hbm>>
      %dma_start3A_42 = tpu.memref_slice %arg4[%add3A_32] : memref<16384xi32, #tpu.memory_space<hbm>> -> memref<128xi32, #tpu.memory_space<hbm>>
      tpu.enqueue_dma source(%dma_start3A_42 : memref<128xi32, #tpu.memory_space<hbm>>) target(%arg7 : memref<128xi32, #tpu.memory_space<vmem>>) target_semaphore(%run_scoped3A : memref<!tpu.dma_semaphore, #tpu.memory_space<semaphore_mem>>)
      %dma_wait3A_43 = tpu.memref_slice %arg4[%add3A_32] : memref<16384xi32, #tpu.memory_space<hbm>> -> memref<128xi32, #tpu.memory_space<hbm>>
      %dma_wait3A_44 = tpu.memref_slice %arg4[%add3A_32] : memref<16384xi32, #tpu.memory_space<hbm>> -> memref<128xi32, #tpu.memory_space<hbm>>
      tpu.wait_dma2 semaphore(%run_scoped3A : memref<!tpu.dma_semaphore, #tpu.memory_space<semaphore_mem>>) src(%dma_wait3A_44 : memref<128xi32, #tpu.memory_space<hbm>>) dst(%arg7 : memref<128xi32, #tpu.memory_space<vmem>>)
      tpu.yield
    }) : () -> ()
    %dma_start3A_33 = arith.constant 0 : i32
    %dma_start3A_34 = tpu.memref_slice %arg2[%dma_start3A_33] : memref<16777216xf32, #tpu.memory_space<hbm>> -> memref<16777216xf32, #tpu.memory_space<hbm>>
    tpu.enqueue_indirect_dma source(%dma_start3A_34 : memref<16777216xf32, #tpu.memory_space<hbm>>) target(%arg8 : memref<128xf32, #tpu.memory_space<vmem>>) offsets(%arg7 : memref<128xi32, #tpu.memory_space<vmem>>) semaphore(%arg10 : memref<!tpu.dma_semaphore, #tpu.memory_space<semaphore_mem>>)
    %dma_start3A_35 = arith.constant 0 : i32
    %dma_start3A_36 = tpu.memref_slice %arg3[%dma_start3A_35] : memref<16777216xf32, #tpu.memory_space<hbm>> -> memref<16777216xf32, #tpu.memory_space<hbm>>
    tpu.enqueue_indirect_dma source(%dma_start3A_36 : memref<16777216xf32, #tpu.memory_space<hbm>>) target(%arg9 : memref<128xf32, #tpu.memory_space<vmem>>) offsets(%arg7 : memref<128xi32, #tpu.memory_space<vmem>>) semaphore(%arg11 : memref<!tpu.dma_semaphore, #tpu.memory_space<semaphore_mem>>)
    %dma_wait3A_37 = arith.constant 0 : i32
    %dma_wait3A_38 = tpu.memref_slice %arg2[%dma_wait3A_37] : memref<16777216xf32, #tpu.memory_space<hbm>> -> memref<16777216xf32, #tpu.memory_space<hbm>>
    tpu.wait_indirect_dma semaphore(%arg10 : memref<!tpu.dma_semaphore, #tpu.memory_space<semaphore_mem>>) src(%dma_wait3A_38 : memref<16777216xf32, #tpu.memory_space<hbm>>) dst(%arg8 : memref<128xf32, #tpu.memory_space<vmem>>)
    %dma_wait3A_39 = arith.constant 0 : i32
    %dma_wait3A_40 = tpu.memref_slice %arg3[%dma_wait3A_39] : memref<16777216xf32, #tpu.memory_space<hbm>> -> memref<16777216xf32, #tpu.memory_space<hbm>>
    tpu.wait_indirect_dma semaphore(%arg11 : memref<!tpu.dma_semaphore, #tpu.memory_space<semaphore_mem>>) src(%dma_wait3A_40 : memref<16777216xf32, #tpu.memory_space<hbm>>) dst(%arg9 : memref<128xf32, #tpu.memory_space<vmem>>)
    "tpu.region"() ({
      %run_scoped3A = tpu.sem_alloc : memref<!tpu.dma_semaphore, #tpu.memory_space<semaphore_mem>>
      %dma_start3A_41 = tpu.memref_slice %arg5[%add3A_32] : memref<16384xf32, #tpu.memory_space<hbm>> -> memref<128xf32, #tpu.memory_space<hbm>>
      %dma_start3A_42 = tpu.memref_slice %arg5[%add3A_32] : memref<16384xf32, #tpu.memory_space<hbm>> -> memref<128xf32, #tpu.memory_space<hbm>>
      tpu.enqueue_dma source(%arg8 : memref<128xf32, #tpu.memory_space<vmem>>) target(%dma_start3A_42 : memref<128xf32, #tpu.memory_space<hbm>>) target_semaphore(%run_scoped3A : memref<!tpu.dma_semaphore, #tpu.memory_space<semaphore_mem>>)
      %dma_wait3A_43 = tpu.memref_slice %arg5[%add3A_32] : memref<16384xf32, #tpu.memory_space<hbm>> -> memref<128xf32, #tpu.memory_space<hbm>>
      %dma_wait3A_44 = tpu.memref_slice %arg5[%add3A_32] : memref<16384xf32, #tpu.memory_space<hbm>> -> memref<128xf32, #tpu.memory_space<hbm>>
      tpu.wait_dma2 semaphore(%run_scoped3A : memref<!tpu.dma_semaphore, #tpu.memory_space<semaphore_mem>>) src(%arg8 : memref<128xf32, #tpu.memory_space<vmem>>) dst(%dma_wait3A_44 : memref<128xf32, #tpu.memory_space<hbm>>)
      tpu.yield
    }) : () -> ()
    "tpu.region"() ({
      %run_scoped3A = tpu.sem_alloc : memref<!tpu.dma_semaphore, #tpu.memory_space<semaphore_mem>>
      %dma_start3A_41 = tpu.memref_slice %arg6[%add3A_32] : memref<16384xf32, #tpu.memory_space<hbm>> -> memref<128xf32, #tpu.memory_space<hbm>>
      %dma_start3A_42 = tpu.memref_slice %arg6[%add3A_32] : memref<16384xf32, #tpu.memory_space<hbm>> -> memref<128xf32, #tpu.memory_space<hbm>>
      tpu.enqueue_dma source(%arg9 : memref<128xf32, #tpu.memory_space<vmem>>) target(%dma_start3A_42 : memref<128xf32, #tpu.memory_space<hbm>>) target_semaphore(%run_scoped3A : memref<!tpu.dma_semaphore, #tpu.memory_space<semaphore_mem>>)
      %dma_wait3A_43 = tpu.memref_slice %arg6[%add3A_32] : memref<16384xf32, #tpu.memory_space<hbm>> -> memref<128xf32, #tpu.memory_space<hbm>>
      %dma_wait3A_44 = tpu.memref_slice %arg6[%add3A_32] : memref<16384xf32, #tpu.memory_space<hbm>> -> memref<128xf32, #tpu.memory_space<hbm>>
      tpu.wait_dma2 semaphore(%run_scoped3A : memref<!tpu.dma_semaphore, #tpu.memory_space<semaphore_mem>>) src(%arg9 : memref<128xf32, #tpu.memory_space<vmem>>) dst(%dma_wait3A_44 : memref<128xf32, #tpu.memory_space<hbm>>)
      tpu.yield
    }) : () -> ()
    return
  }
}

module attributes {stable_mosaic.version = 14 : i64} {
  func.func @_phase1_kernel(%arg0: i32, %arg1: memref<256x1024xf32, #tpu.memory_space<vmem>>, %arg2: memref<256x1024xf32, #tpu.memory_space<vmem>>, %arg3: memref<1x1x256xf32, #tpu.memory_space<vmem>>, %arg4: memref<1x1x256xf32, #tpu.memory_space<vmem>>, %arg5: memref<1x1x256xf32, #tpu.memory_space<vmem>>, %arg6: memref<1x1x256xf32, #tpu.memory_space<vmem>>, %arg7: memref<1x1x256xf32, #tpu.memory_space<vmem>>, %arg8: memref<1x1x256xf32, #tpu.memory_space<vmem>>) attributes {dimension_semantics = [#tpu.dimension_semantics<parallel>], iteration_bounds = array<i64: 64>, scalar_prefetch = 0 : i64, scratch_operands = 0 : i64, tpu.core_type = #tpu.core_type<tc>, window_params = [{transform_indices = @transform_0, window_bounds = array<i64: 256, 1024>}, {transform_indices = @transform_1, window_bounds = array<i64: 256, 1024>}, {transform_indices = @transform_2, window_bounds = array<i64: 1, 1, 256>}, {transform_indices = @transform_3, window_bounds = array<i64: 1, 1, 256>}, {transform_indices = @transform_4, window_bounds = array<i64: 1, 1, 256>}, {transform_indices = @transform_5, window_bounds = array<i64: 1, 1, 256>}, {transform_indices = @transform_6, window_bounds = array<i64: 1, 1, 256>}, {transform_indices = @transform_7, window_bounds = array<i64: 1, 1, 256>}]} {
    %get3A = arith.constant 0 : index
    %get3A_0 = arith.constant 0 : index
    %get3A_1 = vector.load %arg1[%get3A, %get3A_0] : memref<256x1024xf32, #tpu.memory_space<vmem>>, vector<256x1024xf32>
    %get3A_2 = arith.constant 0 : index
    %get3A_3 = arith.constant 0 : index
    %get3A_4 = vector.load %arg2[%get3A_2, %get3A_3] : memref<256x1024xf32, #tpu.memory_space<vmem>>, vector<256x1024xf32>
    %broadcast_in_dim3A = arith.constant 1.000000e+00 : f32
    %broadcast_in_dim3A_5 = vector.broadcast %broadcast_in_dim3A : f32 to vector<1024x1xf32>
    %reduce_max3A = arith.constant dense<0xFF800000> : vector<256xf32>
    %reduce_max3A_6 = vector.multi_reduction <maximumf>, %get3A_1, %reduce_max3A [1] : vector<256x1024xf32> to vector<256xf32>
    %broadcast_in_dim3A_7 = vector.shape_cast %reduce_max3A_6 : vector<256xf32> to vector<256x1xf32>
    %reduce_max3A_8 = arith.constant dense<0xFF800000> : vector<256xf32>
    %reduce_max3A_9 = vector.multi_reduction <maximumf>, %get3A_4, %reduce_max3A_8 [1] : vector<256x1024xf32> to vector<256xf32>
    %broadcast_in_dim3A_10 = vector.shape_cast %reduce_max3A_9 : vector<256xf32> to vector<256x1xf32>
    %sub3A = vector.broadcast %broadcast_in_dim3A_7 : vector<256x1xf32> to vector<256x1024xf32>
    %sub3A_11 = arith.subf %get3A_1, %sub3A : vector<256x1024xf32>
    %exp3A = math.exp %sub3A_11 : vector<256x1024xf32>
    %sub3A_12 = vector.broadcast %broadcast_in_dim3A_10 : vector<256x1xf32> to vector<256x1024xf32>
    %sub3A_13 = arith.subf %get3A_4, %sub3A_12 : vector<256x1024xf32>
    %exp3A_14 = math.exp %sub3A_13 : vector<256x1024xf32>
    %dot_general3A = arith.constant dense<0.000000e+00> : vector<256x1xf32>
    %dot_general3A_15 = tpu.matmul %exp3A, %broadcast_in_dim3A_5, %dot_general3A {dimension_numbers = #tpu.dot_dimension_numbers<[1], [0], [0], [1], [0, 0, 1, 1], [], []>, transpose_lhs_hint = false} : vector<256x1024xf32>, vector<1024x1xf32>, vector<256x1xf32> -> vector<256x1xf32>
    %dot_general3A_16 = arith.constant dense<0.000000e+00> : vector<256x1xf32>
    %dot_general3A_17 = tpu.matmul %exp3A_14, %broadcast_in_dim3A_5, %dot_general3A_16 {dimension_numbers = #tpu.dot_dimension_numbers<[1], [0], [0], [1], [0, 0, 1, 1], [], []>, transpose_lhs_hint = false} : vector<256x1024xf32>, vector<1024x1xf32>, vector<256x1xf32> -> vector<256x1xf32>
    %log3A = math.log %dot_general3A_15 : vector<256x1xf32>
    %log3A_18 = math.log %dot_general3A_17 : vector<256x1xf32>
    %eq3A = vector.broadcast %broadcast_in_dim3A_7 : vector<256x1xf32> to vector<256x1024xf32>
    %eq3A_19 = arith.cmpf oeq, %get3A_1, %eq3A : vector<256x1024xf32>
    %jit3A = arith.constant 0.000000e+00 : f32
    %broadcast_in_dim3A_20 = vector.broadcast %jit3A : f32 to vector<256x1024xf32>
    %select_n3A = arith.select %eq3A_19, %exp3A_14, %broadcast_in_dim3A_20 : vector<256x1024xi1>, vector<256x1024xf32>
    %dot_general3A_21 = arith.constant dense<0.000000e+00> : vector<256x1xf32>
    %dot_general3A_22 = tpu.matmul %select_n3A, %broadcast_in_dim3A_5, %dot_general3A_21 {dimension_numbers = #tpu.dot_dimension_numbers<[1], [0], [0], [1], [0, 0, 1, 1], [], []>, transpose_lhs_hint = false} : vector<256x1024xf32>, vector<1024x1xf32>, vector<256x1xf32> -> vector<256x1xf32>
    %div3A = arith.constant 1.000000e+00 : f32
    %div3A_23 = vector.broadcast %div3A : f32 to vector<256x1xf32>
    %div3A_24 = arith.divf %div3A_23, %dot_general3A_15 : vector<256x1xf32>
    %div3A_25 = arith.constant 1.000000e+00 : f32
    %div3A_26 = vector.broadcast %div3A_25 : f32 to vector<256x1xf32>
    %div3A_27 = arith.divf %div3A_26, %dot_general3A_17 : vector<256x1xf32>
    %mul3A = arith.mulf %div3A_24, %div3A_27 : vector<256x1xf32>
    %eq3A_28 = arith.constant 1.000000e+00 : f32
    %eq3A_29 = vector.broadcast %eq3A_28 : f32 to vector<256x1xf32>
    %eq3A_30 = arith.cmpf oeq, %dot_general3A_22, %eq3A_29 : vector<256x1xf32>
    %gt3A = arith.constant 6.400000e-01 : f32
    %gt3A_31 = vector.broadcast %gt3A : f32 to vector<256x1xf32>
    %gt3A_32 = arith.cmpf ogt, %mul3A, %gt3A_31 : vector<256x1xf32>
    %and3A = arith.andi %eq3A_30, %gt3A_32 : vector<256x1xi1>
    %sub3A_33 = arith.subf %get3A_1, %get3A_4 : vector<256x1024xf32>
    %mul3A_34 = arith.mulf %exp3A, %sub3A_33 : vector<256x1024xf32>
    %dot_general3A_35 = arith.constant dense<0.000000e+00> : vector<256x1xf32>
    %dot_general3A_36 = tpu.matmul %mul3A_34, %broadcast_in_dim3A_5, %dot_general3A_35 {dimension_numbers = #tpu.dot_dimension_numbers<[1], [0], [0], [1], [0, 0, 1, 1], [], []>, transpose_lhs_hint = false} : vector<256x1024xf32>, vector<1024x1xf32>, vector<256x1xf32> -> vector<256x1xf32>
    %mul3A_37 = arith.mulf %exp3A_14, %sub3A_33 : vector<256x1024xf32>
    %dot_general3A_38 = arith.constant dense<0.000000e+00> : vector<256x1xf32>
    %dot_general3A_39 = tpu.matmul %mul3A_37, %broadcast_in_dim3A_5, %dot_general3A_38 {dimension_numbers = #tpu.dot_dimension_numbers<[1], [0], [0], [1], [0, 0, 1, 1], [], []>, transpose_lhs_hint = false} : vector<256x1024xf32>, vector<1024x1xf32>, vector<256x1xf32> -> vector<256x1xf32>
    %div3A_40 = arith.divf %dot_general3A_36, %dot_general3A_15 : vector<256x1xf32>
    %div3A_41 = arith.divf %dot_general3A_39, %dot_general3A_17 : vector<256x1xf32>
    %sub3A_42 = arith.subf %div3A_40, %div3A_41 : vector<256x1xf32>
    %transpose3A = tpu.transpose %log3A, [1, 0] : vector<256x1xf32> -> vector<1x256xf32>
    %swap3A = arith.constant 0 : index
    %swap3A_43 = arith.constant 0 : index
    %swap3A_44 = arith.constant 0 : index
    %swap3A_45 = vector.load %arg3[%swap3A, %swap3A_43, %swap3A_44] : memref<1x1x256xf32, #tpu.memory_space<vmem>>, vector<1x1x256xf32>
    %swap3A_46 = vector.shape_cast %swap3A_45 : vector<1x1x256xf32> to vector<1x256xf32>
    %swap3A_47 = vector.shape_cast %transpose3A : vector<1x256xf32> to vector<1x1x256xf32>
    tpu.vector_store %arg3[%swap3A, %swap3A_43, %swap3A_44], %swap3A_47 {strides = array<i32>} : memref<1x1x256xf32, #tpu.memory_space<vmem>>, vector<1x1x256xf32>,
    %transpose3A_48 = tpu.transpose %log3A_18, [1, 0] : vector<256x1xf32> -> vector<1x256xf32>
    %swap3A_49 = arith.constant 0 : index
    %swap3A_50 = arith.constant 0 : index
    %swap3A_51 = arith.constant 0 : index
    %swap3A_52 = vector.load %arg4[%swap3A_49, %swap3A_50, %swap3A_51] : memref<1x1x256xf32, #tpu.memory_space<vmem>>, vector<1x1x256xf32>
    %swap3A_53 = vector.shape_cast %swap3A_52 : vector<1x1x256xf32> to vector<1x256xf32>
    %swap3A_54 = vector.shape_cast %transpose3A_48 : vector<1x256xf32> to vector<1x1x256xf32>
    tpu.vector_store %arg4[%swap3A_49, %swap3A_50, %swap3A_51], %swap3A_54 {strides = array<i32>} : memref<1x1x256xf32, #tpu.memory_space<vmem>>, vector<1x1x256xf32>,
    %transpose3A_55 = tpu.transpose %broadcast_in_dim3A_7, [1, 0] : vector<256x1xf32> -> vector<1x256xf32>
    %swap3A_56 = arith.constant 0 : index
    %swap3A_57 = arith.constant 0 : index
    %swap3A_58 = arith.constant 0 : index
    %swap3A_59 = vector.load %arg5[%swap3A_56, %swap3A_57, %swap3A_58] : memref<1x1x256xf32, #tpu.memory_space<vmem>>, vector<1x1x256xf32>
    %swap3A_60 = vector.shape_cast %swap3A_59 : vector<1x1x256xf32> to vector<1x256xf32>
    %swap3A_61 = vector.shape_cast %transpose3A_55 : vector<1x256xf32> to vector<1x1x256xf32>
    tpu.vector_store %arg5[%swap3A_56, %swap3A_57, %swap3A_58], %swap3A_61 {strides = array<i32>} : memref<1x1x256xf32, #tpu.memory_space<vmem>>, vector<1x1x256xf32>,
    %transpose3A_62 = tpu.transpose %broadcast_in_dim3A_10, [1, 0] : vector<256x1xf32> -> vector<1x256xf32>
    %swap3A_63 = arith.constant 0 : index
    %swap3A_64 = arith.constant 0 : index
    %swap3A_65 = arith.constant 0 : index
    %swap3A_66 = vector.load %arg6[%swap3A_63, %swap3A_64, %swap3A_65] : memref<1x1x256xf32, #tpu.memory_space<vmem>>, vector<1x1x256xf32>
    %swap3A_67 = vector.shape_cast %swap3A_66 : vector<1x1x256xf32> to vector<1x256xf32>
    %swap3A_68 = vector.shape_cast %transpose3A_62 : vector<1x256xf32> to vector<1x1x256xf32>
    tpu.vector_store %arg6[%swap3A_63, %swap3A_64, %swap3A_65], %swap3A_68 {strides = array<i32>} : memref<1x1x256xf32, #tpu.memory_space<vmem>>, vector<1x1x256xf32>,
    %convert_element_type3A = arith.extui %and3A : vector<256x1xi1> to vector<256x1xi32>
    %convert_element_type3A_69 = arith.sitofp %convert_element_type3A : vector<256x1xi32> to vector<256x1xf32>
    %transpose3A_70 = tpu.transpose %convert_element_type3A_69, [1, 0] : vector<256x1xf32> -> vector<1x256xf32>
    %swap3A_71 = arith.constant 0 : index
    %swap3A_72 = arith.constant 0 : index
    %swap3A_73 = arith.constant 0 : index
    %swap3A_74 = vector.load %arg7[%swap3A_71, %swap3A_72, %swap3A_73] : memref<1x1x256xf32, #tpu.memory_space<vmem>>, vector<1x1x256xf32>
    %swap3A_75 = vector.shape_cast %swap3A_74 : vector<1x1x256xf32> to vector<1x256xf32>
    %swap3A_76 = vector.shape_cast %transpose3A_70 : vector<1x256xf32> to vector<1x1x256xf32>
    tpu.vector_store %arg7[%swap3A_71, %swap3A_72, %swap3A_73], %swap3A_76 {strides = array<i32>} : memref<1x1x256xf32, #tpu.memory_space<vmem>>, vector<1x1x256xf32>,
    %transpose3A_77 = tpu.transpose %sub3A_42, [1, 0] : vector<256x1xf32> -> vector<1x256xf32>
    %swap3A_78 = arith.constant 0 : index
    %swap3A_79 = arith.constant 0 : index
    %swap3A_80 = arith.constant 0 : index
    %swap3A_81 = vector.load %arg8[%swap3A_78, %swap3A_79, %swap3A_80] : memref<1x1x256xf32, #tpu.memory_space<vmem>>, vector<1x1x256xf32>
    %swap3A_82 = vector.shape_cast %swap3A_81 : vector<1x1x256xf32> to vector<1x256xf32>
    %swap3A_83 = vector.shape_cast %transpose3A_77 : vector<1x256xf32> to vector<1x1x256xf32>
    tpu.vector_store %arg8[%swap3A_78, %swap3A_79, %swap3A_80], %swap3A_83 {strides = array<i32>} : memref<1x1x256xf32, #tpu.memory_space<vmem>>, vector<1x1x256xf32>,
    return
  }
  func.func @transform_0(%arg0: i32) -> (i32, i32) {
    %c0_i32 = arith.constant 0 : i32
    %c0_i32_0 = arith.constant 0 : i32
    return %arg0, %c0_i32 : i32, i32
  }
  func.func @transform_1(%arg0: i32) -> (i32, i32) {
    %c0_i32 = arith.constant 0 : i32
    %c0_i32_0 = arith.constant 0 : i32
    return %arg0, %c0_i32 : i32, i32
  }
  func.func @transform_2(%arg0: i32) -> (i32, i32, i32) {
    %c0_i32 = arith.constant 0 : i32
    %c0_i32_0 = arith.constant 0 : i32
    %c0_i32_1 = arith.constant 0 : i32
    return %arg0, %c0_i32, %c0_i32_0 : i32, i32, i32
  }
  func.func @transform_3(%arg0: i32) -> (i32, i32, i32) {
    %c0_i32 = arith.constant 0 : i32
    %c0_i32_0 = arith.constant 0 : i32
    %c0_i32_1 = arith.constant 0 : i32
    return %arg0, %c0_i32, %c0_i32_0 : i32, i32, i32
  }
  func.func @transform_4(%arg0: i32) -> (i32, i32, i32) {
    %c0_i32 = arith.constant 0 : i32
    %c0_i32_0 = arith.constant 0 : i32
    %c0_i32_1 = arith.constant 0 : i32
    return %arg0, %c0_i32, %c0_i32_0 : i32, i32, i32
  }
  func.func @transform_5(%arg0: i32) -> (i32, i32, i32) {
    %c0_i32 = arith.constant 0 : i32
    %c0_i32_0 = arith.constant 0 : i32
    %c0_i32_1 = arith.constant 0 : i32
    return %arg0, %c0_i32, %c0_i32_0 : i32, i32, i32
  }
  func.func @transform_6(%arg0: i32) -> (i32, i32, i32) {
    %c0_i32 = arith.constant 0 : i32
    %c0_i32_0 = arith.constant 0 : i32
    %c0_i32_1 = arith.constant 0 : i32
    return %arg0, %c0_i32, %c0_i32_0 : i32, i32, i32
  }
  func.func @transform_7(%arg0: i32) -> (i32, i32, i32) {
    %c0_i32 = arith.constant 0 : i32
    %c0_i32_0 = arith.constant 0 : i32
    %c0_i32_1 = arith.constant 0 : i32
    return %arg0, %c0_i32, %c0_i32_0 : i32, i32, i32
  }
}

module attributes {stable_mosaic.version = 14 : i64} {
  func.func @_phase2_kernel(%arg0: memref<128x128xf32, #tpu.memory_space<vmem>>, %arg1: memref<128x128xf32, #tpu.memory_space<vmem>>, %arg2: memref<128x128xf32, #tpu.memory_space<vmem>>, %arg3: memref<128x128xf32, #tpu.memory_space<vmem>>, %arg4: memref<128x128xf32, #tpu.memory_space<vmem>>, %arg5: memref<128x128xf32, #tpu.memory_space<vmem>>, %arg6: memref<128x128xf32, #tpu.memory_space<vmem>>, %arg7: memref<128x128xf32, #tpu.memory_space<vmem>>, %arg8: memref<1x1xi32, #tpu.memory_space<smem>>, %arg9: memref<1x1xf32, #tpu.memory_space<smem>>) attributes {dimension_semantics = [], scalar_prefetch = 0 : i64, scratch_operands = 0 : i64, tpu.core_type = #tpu.core_type<tc>} {
    %get3A = arith.constant 0 : index
    %get3A_0 = arith.constant 0 : index
    %get3A_1 = vector.load %arg0[%get3A, %get3A_0] : memref<128x128xf32, #tpu.memory_space<vmem>>, vector<128x128xf32>
    %get3A_2 = arith.constant 0 : index
    %get3A_3 = arith.constant 0 : index
    %get3A_4 = vector.load %arg1[%get3A_2, %get3A_3] : memref<128x128xf32, #tpu.memory_space<vmem>>, vector<128x128xf32>
    %get3A_5 = arith.constant 0 : index
    %get3A_6 = arith.constant 0 : index
    %get3A_7 = vector.load %arg2[%get3A_5, %get3A_6] : memref<128x128xf32, #tpu.memory_space<vmem>>, vector<128x128xf32>
    %get3A_8 = arith.constant 0 : index
    %get3A_9 = arith.constant 0 : index
    %get3A_10 = vector.load %arg3[%get3A_8, %get3A_9] : memref<128x128xf32, #tpu.memory_space<vmem>>, vector<128x128xf32>
    %get3A_11 = arith.constant 0 : index
    %get3A_12 = arith.constant 0 : index
    %get3A_13 = vector.load %arg6[%get3A_11, %get3A_12] : memref<128x128xf32, #tpu.memory_space<vmem>>, vector<128x128xf32>
    %get3A_14 = arith.constant 0 : index
    %get3A_15 = arith.constant 0 : index
    %get3A_16 = vector.load %arg7[%get3A_14, %get3A_15] : memref<128x128xf32, #tpu.memory_space<vmem>>, vector<128x128xf32>
    %sub3A = arith.subf %get3A_13, %get3A_7 : vector<128x128xf32>
    %sub3A_17 = arith.subf %get3A_1, %sub3A : vector<128x128xf32>
    %sub3A_18 = arith.subf %get3A_16, %get3A_10 : vector<128x128xf32>
    %sub3A_19 = arith.subf %get3A_4, %sub3A_18 : vector<128x128xf32>
    %add3A = arith.addf %sub3A_17, %sub3A_19 : vector<128x128xf32>
    %add3A_20 = arith.addf %get3A_1, %get3A_4 : vector<128x128xf32>
    %reduce_sum3A = vector.shape_cast %add3A : vector<128x128xf32> to vector<1x128x128xf32>
    %reduce_sum3A_21 = arith.constant dense<0.000000e+00> : vector<1xf32>
    %reduce_sum3A_22 = vector.multi_reduction <add>, %reduce_sum3A, %reduce_sum3A_21 [1, 2] : vector<1x128x128xf32> to vector<1xf32>
    %reduce_sum3A_23 = vector.shape_cast %reduce_sum3A_22 : vector<1xf32> to vector<1x1x1xf32>
    %reduce_sum3A_24 = vector.extract %reduce_sum3A_23[0, 0, 0] : f32 from vector<1x1x1xf32>
    %div3A = arith.constant 1.638400e+04 : f32
    %div3A_25 = arith.divf %reduce_sum3A_24, %div3A : f32
    %lt3A = vector.broadcast %div3A_25 : f32 to vector<128x128xf32>
    %lt3A_26 = arith.cmpf olt, %add3A, %lt3A : vector<128x128xf32>
    %convert_element_type3A = arith.extui %lt3A_26 : vector<128x128xi1> to vector<128x128xi32>
    %reduce_sum3A_27 = vector.shape_cast %convert_element_type3A : vector<128x128xi32> to vector<1x128x128xi32>
    %reduce_sum3A_28 = arith.constant dense<0> : vector<1xi32>
    %reduce_sum3A_29 = vector.multi_reduction <add>, %reduce_sum3A_27, %reduce_sum3A_28 [1, 2] : vector<1x128x128xi32> to vector<1xi32>
    %reduce_sum3A_30 = vector.shape_cast %reduce_sum3A_29 : vector<1xi32> to vector<1x1x1xi32>
    %reduce_sum3A_31 = vector.extract %reduce_sum3A_30[0, 0, 0] : i32 from vector<1x1x1xi32>
    %get3A_32 = arith.constant 0 : index
    %get3A_33 = arith.constant 0 : index
    %get3A_34 = memref.load %arg8[%get3A_32, %get3A_33] : memref<1x1xi32, #tpu.memory_space<smem>>
    %max3A = arith.maxsi %get3A_34, %reduce_sum3A_31 : i32
    %bitcast_convert_type3A = tpu.bitcast %add3A : vector<128x128xf32> -> vector<128x128xi32>
    %scan3A = arith.constant 0 : i32
    %scan3A_35 = arith.constant 2139095040 : i32
    %scan3A_36 = arith.constant 0 : i32
    %scan3A_37 = arith.constant 31 : i32
    %scan3A_38 = arith.addi %scan3A_36, %scan3A_37 : i32
    %scan3A_39 = arith.constant 1 : i32
    %scan3A_40:2 = scf.for %scan3A_129 = %scan3A_36 to %scan3A_38 step %scan3A_39 iter_args(%scan3A_130 = %scan3A, %scan3A_131 = %scan3A_35) -> (i32, i32)  : i32 {
      %sub3A_132 = arith.subi %scan3A_131, %scan3A_130 : i32
      %jit3A_133 = arith.constant 2 : i32
      %div3A_134 = arith.divsi %sub3A_132, %jit3A_133 : i32
      %sign3A = arith.constant 0 : i32
      %sign3A_135 = arith.cmpi sgt, %sub3A_132, %sign3A : i32
      %sign3A_136 = arith.extui %sign3A_135 : i1 to i32
      %sign3A_137 = arith.constant 0 : i32
      %sign3A_138 = arith.cmpi slt, %sub3A_132, %sign3A_137 : i32
      %sign3A_139 = arith.extui %sign3A_138 : i1 to i32
      %sign3A_140 = arith.subi %sign3A_136, %sign3A_139 : i32
      %sign3A_141 = arith.constant 0 : i32
      %sign3A_142 = arith.cmpi sgt, %jit3A_133, %sign3A_141 : i32
      %sign3A_143 = arith.extui %sign3A_142 : i1 to i32
      %sign3A_144 = arith.constant 0 : i32
      %sign3A_145 = arith.cmpi slt, %jit3A_133, %sign3A_144 : i32
      %sign3A_146 = arith.extui %sign3A_145 : i1 to i32
      %sign3A_147 = arith.subi %sign3A_143, %sign3A_146 : i32
      %ne3A_148 = arith.cmpi ne, %sign3A_140, %sign3A_147 : i32
      %rem3A = arith.remsi %sub3A_132, %jit3A_133 : i32
      %ne3A_149 = arith.constant 0 : i32
      %ne3A_150 = arith.cmpi ne, %rem3A, %ne3A_149 : i32
      %and3A_151 = arith.andi %ne3A_148, %ne3A_150 : i1
      %sub3A_152 = arith.constant 1 : i32
      %sub3A_153 = arith.subi %div3A_134, %sub3A_152 : i32
      %select_n3A_154 = arith.select %and3A_151, %sub3A_153, %div3A_134 : i32
      %add3A_155 = arith.addi %scan3A_130, %select_n3A_154 : i32
      %le3A_156 = vector.broadcast %add3A_155 : i32 to vector<128x128xi32>
      %le3A_157 = arith.cmpi sle, %bitcast_convert_type3A, %le3A_156 : vector<128x128xi32>
      %convert_element_type3A_158 = arith.extui %le3A_157 : vector<128x128xi1> to vector<128x128xi32>
      %reduce_sum3A_159 = vector.shape_cast %convert_element_type3A_158 : vector<128x128xi32> to vector<1x128x128xi32>
      %reduce_sum3A_160 = arith.constant dense<0> : vector<1xi32>
      %reduce_sum3A_161 = vector.multi_reduction <add>, %reduce_sum3A_159, %reduce_sum3A_160 [1, 2] : vector<1x128x128xi32> to vector<1xi32>
      %reduce_sum3A_162 = vector.shape_cast %reduce_sum3A_161 : vector<1xi32> to vector<1x1x1xi32>
      %reduce_sum3A_163 = vector.extract %reduce_sum3A_162[0, 0, 0] : i32 from vector<1x1x1xi32>
      %ge3A_164 = arith.cmpi sge, %reduce_sum3A_163, %max3A : i32
      %add3A_165 = arith.constant 1 : i32
      %add3A_166 = arith.addi %add3A_155, %add3A_165 : i32
      %select_n3A_167 = arith.select %ge3A_164, %scan3A_130, %add3A_166 : i32
      %select_n3A_168 = arith.select %ge3A_164, %add3A_155, %scan3A_131 : i32
      scf.yield %select_n3A_167, %select_n3A_168 : i32, i32
    }
    %lt3A_41 = vector.broadcast %scan3A_40#1 : i32 to vector<128x128xi32>
    %lt3A_42 = arith.cmpi slt, %bitcast_convert_type3A, %lt3A_41 : vector<128x128xi32>
    %convert_element_type3A_43 = arith.extui %lt3A_42 : vector<128x128xi1> to vector<128x128xi32>
    %reduce_sum3A_44 = vector.shape_cast %convert_element_type3A_43 : vector<128x128xi32> to vector<1x128x128xi32>
    %reduce_sum3A_45 = arith.constant dense<0> : vector<1xi32>
    %reduce_sum3A_46 = vector.multi_reduction <add>, %reduce_sum3A_44, %reduce_sum3A_45 [1, 2] : vector<1x128x128xi32> to vector<1xi32>
    %reduce_sum3A_47 = vector.shape_cast %reduce_sum3A_46 : vector<1xi32> to vector<1x1x1xi32>
    %reduce_sum3A_48 = vector.extract %reduce_sum3A_47[0, 0, 0] : i32 from vector<1x1x1xi32>
    %eq3A = vector.broadcast %scan3A_40#1 : i32 to vector<128x128xi32>
    %eq3A_49 = arith.cmpi eq, %bitcast_convert_type3A, %eq3A : vector<128x128xi32>
    %sub3A_50 = arith.subi %max3A, %reduce_sum3A_48 : i32
    %convert_element_type3A_51 = arith.sitofp %sub3A_50 : i32 to f32
    %convert_element_type3A_52 = arith.extui %eq3A_49 : vector<128x128xi1> to vector<128x128xi32>
    %convert_element_type3A_53 = arith.sitofp %convert_element_type3A_52 : vector<128x128xi32> to vector<128x128xf32>
    %iota3A = tpu.iota {dimensions = array<i32: 0>} : vector<128x128xi32>
    %iota3A_54 = tpu.iota {dimensions = array<i32: 1>} : vector<128x128xi32>
    %le3A = arith.cmpi sle, %iota3A, %iota3A_54 : vector<128x128xi32>
    %convert_element_type3A_55 = arith.extui %le3A : vector<128x128xi1> to vector<128x128xi32>
    %convert_element_type3A_56 = arith.sitofp %convert_element_type3A_55 : vector<128x128xi32> to vector<128x128xf32>
    %lt3A_57 = arith.cmpi slt, %iota3A_54, %iota3A : vector<128x128xi32>
    %convert_element_type3A_58 = arith.extui %lt3A_57 : vector<128x128xi1> to vector<128x128xi32>
    %convert_element_type3A_59 = arith.sitofp %convert_element_type3A_58 : vector<128x128xi32> to vector<128x128xf32>
    %dot_general3A = arith.constant dense<0.000000e+00> : vector<128x128xf32>
    %dot_general3A_60 = tpu.matmul %convert_element_type3A_53, %convert_element_type3A_56, %dot_general3A {dimension_numbers = #tpu.dot_dimension_numbers<[1], [0], [0], [1], [0, 0, 1, 1], [], []>, transpose_lhs_hint = false} : vector<128x128xf32>, vector<128x128xf32>, vector<128x128xf32> -> vector<128x128xf32>
    %slice3A = vector.extract_strided_slice %dot_general3A_60 {offsets = [0, 127], sizes = [128, 1], strides = [1, 1]} : vector<128x128xf32> to vector<128x1xf32>
    %dot_general3A_61 = arith.constant dense<0.000000e+00> : vector<128x1xf32>
    %dot_general3A_62 = tpu.matmul %convert_element_type3A_59, %slice3A, %dot_general3A_61 {dimension_numbers = #tpu.dot_dimension_numbers<[1], [0], [0], [1], [0, 0, 1, 1], [], []>, transpose_lhs_hint = false} : vector<128x128xf32>, vector<128x1xf32>, vector<128x1xf32> -> vector<128x1xf32>
    %sub3A_63 = arith.subf %dot_general3A_60, %convert_element_type3A_53 : vector<128x128xf32>
    %add3A_64 = vector.broadcast %dot_general3A_62 : vector<128x1xf32> to vector<128x128xf32>
    %add3A_65 = arith.addf %sub3A_63, %add3A_64 : vector<128x128xf32>
    %lt3A_66 = vector.broadcast %scan3A_40#1 : i32 to vector<128x128xi32>
    %lt3A_67 = arith.cmpi slt, %bitcast_convert_type3A, %lt3A_66 : vector<128x128xi32>
    %lt3A_68 = vector.broadcast %convert_element_type3A_51 : f32 to vector<128x128xf32>
    %lt3A_69 = arith.cmpf olt, %add3A_65, %lt3A_68 : vector<128x128xf32>
    %and3A = arith.andi %eq3A_49, %lt3A_69 : vector<128x128xi1>
    %or3A = arith.ori %lt3A_67, %and3A : vector<128x128xi1>
    %mul3A = arith.constant 128 : i32
    %mul3A_70 = vector.broadcast %mul3A : i32 to vector<128x128xi32>
    %mul3A_71 = arith.muli %iota3A, %mul3A_70 : vector<128x128xi32>
    %add3A_72 = arith.addi %mul3A_71, %iota3A_54 : vector<128x128xi32>
    %not3A = arith.constant dense<true> : vector<128x128xi1>
    %not3A_73 = arith.xori %or3A, %not3A : vector<128x128xi1>
    %ge3A = arith.constant 1 : i32
    %ge3A_74 = vector.broadcast %ge3A : i32 to vector<128x128xi32>
    %ge3A_75 = arith.cmpi sge, %add3A_72, %ge3A_74 : vector<128x128xi32>
    %and3A_76 = arith.andi %not3A_73, %ge3A_75 : vector<128x128xi1>
    %get3A_77 = arith.constant 0 : index
    %get3A_78 = arith.constant 0 : index
    %get3A_79 = vector.load %arg4[%get3A_77, %get3A_78] : memref<128x128xf32, #tpu.memory_space<vmem>>, vector<128x128xf32>
    %gt3A = arith.constant 5.000000e-01 : f32
    %gt3A_80 = vector.broadcast %gt3A : f32 to vector<128x128xf32>
    %gt3A_81 = arith.cmpf ogt, %get3A_79, %gt3A_80 : vector<128x128xf32>
    %ne3A = arith.cmpf one, %get3A_13, %get3A_7 : vector<128x128xf32>
    %and3A_82 = arith.andi %gt3A_81, %ne3A : vector<128x128xi1>
    %jit3A = arith.constant 0.000000e+00 : f32
    %broadcast_in_dim3A = vector.broadcast %jit3A : f32 to vector<128x128xf32>
    %select_n3A = arith.select %or3A, %add3A, %broadcast_in_dim3A : vector<128x128xi1>, vector<128x128xf32>
    %reduce_sum3A_83 = vector.shape_cast %select_n3A : vector<128x128xf32> to vector<1x128x128xf32>
    %reduce_sum3A_84 = arith.constant dense<0.000000e+00> : vector<1xf32>
    %reduce_sum3A_85 = vector.multi_reduction <add>, %reduce_sum3A_83, %reduce_sum3A_84 [1, 2] : vector<1x128x128xf32> to vector<1xf32>
    %reduce_sum3A_86 = vector.shape_cast %reduce_sum3A_85 : vector<1xf32> to vector<1x1x1xf32>
    %reduce_sum3A_87 = vector.extract %reduce_sum3A_86[0, 0, 0] : f32 from vector<1x1x1xf32>
    %and3A_88 = arith.andi %and3A_76, %and3A_82 : vector<128x128xi1>
    %jit3A_89 = arith.constant 0.000000e+00 : f32
    %broadcast_in_dim3A_90 = vector.broadcast %jit3A_89 : f32 to vector<128x128xf32>
    %select_n3A_91 = arith.select %and3A_88, %add3A_20, %broadcast_in_dim3A_90 : vector<128x128xi1>, vector<128x128xf32>
    %reduce_sum3A_92 = vector.shape_cast %select_n3A_91 : vector<128x128xf32> to vector<1x128x128xf32>
    %reduce_sum3A_93 = arith.constant dense<0.000000e+00> : vector<1xf32>
    %reduce_sum3A_94 = vector.multi_reduction <add>, %reduce_sum3A_92, %reduce_sum3A_93 [1, 2] : vector<1x128x128xf32> to vector<1xf32>
    %reduce_sum3A_95 = vector.shape_cast %reduce_sum3A_94 : vector<1xf32> to vector<1x1x1xf32>
    %reduce_sum3A_96 = vector.extract %reduce_sum3A_95[0, 0, 0] : f32 from vector<1x1x1xf32>
    %not3A_97 = arith.constant dense<true> : vector<128x128xi1>
    %not3A_98 = arith.xori %and3A_82, %not3A_97 : vector<128x128xi1>
    %and3A_99 = arith.andi %and3A_76, %not3A_98 : vector<128x128xi1>
    %jit3A_100 = arith.constant 0.000000e+00 : f32
    %broadcast_in_dim3A_101 = vector.broadcast %jit3A_100 : f32 to vector<128x128xf32>
    %select_n3A_102 = arith.select %and3A_99, %add3A, %broadcast_in_dim3A_101 : vector<128x128xi1>, vector<128x128xf32>
    %reduce_sum3A_103 = vector.shape_cast %select_n3A_102 : vector<128x128xf32> to vector<1x128x128xf32>
    %reduce_sum3A_104 = arith.constant dense<0.000000e+00> : vector<1xf32>
    %reduce_sum3A_105 = vector.multi_reduction <add>, %reduce_sum3A_103, %reduce_sum3A_104 [1, 2] : vector<1x128x128xf32> to vector<1xf32>
    %reduce_sum3A_106 = vector.shape_cast %reduce_sum3A_105 : vector<1xf32> to vector<1x1x1xf32>
    %reduce_sum3A_107 = vector.extract %reduce_sum3A_106[0, 0, 0] : f32 from vector<1x1x1xf32>
    %get3A_108 = arith.constant 0 : index
    %get3A_109 = arith.constant 0 : index
    %get3A_110 = vector.load %arg5[%get3A_108, %get3A_109] : memref<128x128xf32, #tpu.memory_space<vmem>>, vector<128x128xf32>
    %reduce_sum3A_111 = vector.shape_cast %get3A_110 : vector<128x128xf32> to vector<1x128x128xf32>
    %reduce_sum3A_112 = arith.constant dense<0.000000e+00> : vector<1xf32>
    %reduce_sum3A_113 = vector.multi_reduction <add>, %reduce_sum3A_111, %reduce_sum3A_112 [1, 2] : vector<1x128x128xf32> to vector<1xf32>
    %reduce_sum3A_114 = vector.shape_cast %reduce_sum3A_113 : vector<1xf32> to vector<1x1x1xf32>
    %reduce_sum3A_115 = vector.extract %reduce_sum3A_114[0, 0, 0] : f32 from vector<1x1x1xf32>
    %add3A_116 = arith.addf %reduce_sum3A_87, %reduce_sum3A_96 : f32
    %mul3A_117 = arith.constant 1.000000e+00 : f32
    %mul3A_118 = arith.mulf %mul3A_117, %reduce_sum3A_107 : f32
    %add3A_119 = arith.addf %add3A_116, %mul3A_118 : f32
    %div3A_120 = arith.constant 1.638400e+04 : f32
    %div3A_121 = arith.divf %add3A_119, %div3A_120 : f32
    %div3A_122 = arith.constant 1.638400e+04 : f32
    %div3A_123 = arith.divf %reduce_sum3A_115, %div3A_122 : f32
    %mul3A_124 = arith.constant 1.000000e-01 : f32
    %mul3A_125 = arith.mulf %mul3A_124, %div3A_123 : f32
    %add3A_126 = arith.addf %div3A_121, %mul3A_125 : f32
    %swap3A = arith.constant 0 : index
    %swap3A_127 = arith.constant 0 : index
    %swap3A_128 = memref.load %arg9[%swap3A, %swap3A_127] : memref<1x1xf32, #tpu.memory_space<smem>>
    memref.store %add3A_126, %arg9[%swap3A, %swap3A_127] : memref<1x1xf32, #tpu.memory_space<smem>>
    return
  }
}

</mosaic_0001>

<sc_bundles>
// kernel: kernel.5.cloned.1.call-start
scs
__scs_entry_jumppad:
0x0: {  	(pc) =	sbr.rel $0x88, $3  }
0x1: {  	(tag) =	ssettag $0x0;
	lr =	simm.s32 $0x1  }
0x2: {  	[smem:$0x3F9D] =	sst lr;
	_ =	strace $0xD0000000  }
0x3: {  	_ = 	snop  }
0x4: {  	_ = 	snop  }
0x5: {  	_ = 	snop  }
0x6: {  	_ = 	snop  }
0x7: {  	_ = 	snop  }
__scs_overlays_trampoline_lowered:
0x8: {  	[smem:$0x3FAC] =	sst s0  }
0x9: {  	[smem:$0x3FAD] =	sst s1  }
0xa: {  	[smem:$0x3FAE] =	sst s2  }
0xb: {  	[smem:$0x3FAF] =	sst s3  }
0xc: {  	[smem:$0x3FB0] =	sst s4  }
0xd: {  	[smem:$0x3FB1] =	sst s5  }
0xe: {  	[smem:$0x3FB2] =	sst s6  }
0xf: {  	[smem:$0x3FB3] =	sst s7  }
0x10: {  	[smem:$0x3FB4] =	sst s8  }
0x11: {  	[smem:$0x3FB5] =	sst s9;
	s0 =	simm.s32 @!p0 $0x0  }
0x12: {  	s1 =	sld [smem:$0x3F9B];
	s0 =	simm.s32 @p0 $0x1  }
0x13: {  	[smem:$0x3FB6] =	sst s0;
	s0 =	simm.s32 @!p1 $0x0  }
0x14: {  	s2 =	sld [smem:$0x3F9A];
	s0 =	simm.s32 @p1 $0x1  }
0x15: {  	[smem:$0x3FB7] =	sst s0;
	s0 =	simm.s32 @!p2 $0x0  }
0x16: {  	s3 =	sld [smem:$0x3FDB];
	s0 =	simm.s32 @p2 $0x1  }
0x17: {  	s4 =	simm.s32 $0x1BF5;
	[smem:$0x3FB9] =	sst s0  }
0x18: {  	s0 =	sld [smem:$0x3F9C];
	_ =	swait.ge [sflag:s4], $0x0  }
0x19: {  	s7 =	sld [smem:$0x3F9D]  }
0x1a: {  	s8 =	sadd.s32 $0xFFFFE003, lr  }
0x1b: {  	s9 =	sadd.s32 $0xFFFFFEF7, lr;
	s5 =	simm.s32 $0xFFFFFFFF;
	p2 =	slt.u32 s8, $0xFFFFF086  }
0x1c: {  	p1 =	slt.u32 s9, $0xF7A;
	s5 =	simm.s32 @!p2 $0x0  }
0x1d: {  	s5 =	simm.s32 @p1 $0x1;
	p0 =	seq.s32 s7, s2  }
0x1e: {  	s7 =	smul.u32 @!p0 $0xF7A, s2;
	p2 =	seq.s32 @!p0 s5, $0x0  }
0x1f: {  	s9 =	smul.u32 $0xF7A, s1;
	s8 =	simm.s32 @!p0 $0x1BF5;
	p2 =	por !p2, p0  }
0x20: {  	[sflag:s8] =	ssyncset.s32 @!p0 $0xFFFFF086;
	s6 =	sadd.s32 @!p0 s3, s7;
	s7 =	simm.s32 @!p0 $0x108  }
0x21: {  	s3 =	sadd.s32 s3, s9;
	s6 =	sadd.s32 @!p0 $0x88, s6;
	s7 =	simm.s32 @p2 $0x1082  }
0x22: {  	[simem:s7], [sflag:s8] =	dma.local @!p0 [hbm:s6], $0xF7A  }
0x23: {  	s9 =	sor.u32 $0xD0000000, s2;
	s6 =	simm.s32 $0x108;
	_ =	swait.ge @!p0 [sflag:s8], $0x0  }
0x24: {  	s3 =	sadd.s32 $0x88, s3;
	s6 =	simm.s32 @!p1 $0x1082;
	[sflag:s4] =	ssyncset.s32 $0xFFFFF086  }
0x25: {  	[simem:s6], [sflag:s4] =	dma.local [hbm:s3], $0xF7A  }
0x26: {  	[smem:$0x3F9D] =	sst s1;
	(tag) =	ssettag s2;
	_ =	strace s9  }
0x27: {  	s1 =	sld [smem:$0x3FAD]  }
0x28: {  	s2 =	sld [smem:$0x3FAE]  }
0x29: {  	s4 =	sld [smem:$0x3FB0]  }
0x2a: {  	p0 =	seq.s32 s5, $0x0;
	s5 =	sld [smem:$0x3FB1]  }
0x2b: {  	s6 =	sld [smem:$0x3FB2]  }
0x2c: {  	s7 =	sld [smem:$0x3FB3]  }
0x2d: {  	s3 =	simm.s32 $0x108;
	s8 =	sld [smem:$0x3FB4]  }
0x2e: {  	s3 =	simm.s32 @!p0 $0x1082;
	s9 =	sld [smem:$0x3FB5]  }
0x2f: {  	lr =	sadd.s32 s0, s3;
	s0 =	sld [smem:$0x3FAC]  }
0x30: {  	s3 =	sld [smem:$0x3FAF]  }
0x31: {  	[smem:$0x3FB8] =	sst s10  }
0x32: {  	s10 =	sld [smem:$0x3FB6];
	_ =	sdelay $0x3  }
0x33: {  	p0 =	seq.s32 s10, $0x1;
	s10 =	sld [smem:$0x3FB8];
	_ =	sdelay $0x3  }
0x34: {  	[smem:$0x3FB8] =	sst s10  }
0x35: {  	s10 =	sld [smem:$0x3FB7];
	_ =	sdelay $0x3  }
0x36: {  	p1 =	seq.s32 s10, $0x1;
	s10 =	sld [smem:$0x3FB8];
	_ =	sdelay $0x3  }
0x37: {  	[smem:$0x3FB8] =	sst s10  }
0x38: {  	s10 =	sld [smem:$0x3FB9]  }
0x39: {  	_ = 	snop;
	(pc) =	sbr.ind lr, $3  }
0x3a: {  	_ = 	snop  }
0x3b: {  	_ = 	snop  }
0x3c: {  	p2 =	seq.s32 s10, $0x1;
	s10 =	sld [smem:$0x3FB8]  }
0x3d: {  	_ =	shalt  }
0x3e: {  	_ =	shalt  }
0x3f: {  	_ =	shalt  }
0x40: {  	_ =	shalt  }
0x41: {  	_ =	shalt  }
0x42: {  	_ =	shalt  }
0x43: {  	_ =	shalt  }
0x44: {  	_ =	shalt  }
0x45: {  	_ =	shalt  }
0x46: {  	_ =	shalt  }
0x47: {  	_ =	shalt  }
0x48: {  	_ =	shalt  }
0x49: {  	_ =	shalt  }
0x4a: {  	_ =	shalt  }
0x4b: {  	_ =	shalt  }
0x4c: {  	_ =	shalt  }
0x4d: {  	_ =	shalt  }
0x4e: {  	_ =	shalt  }
0x4f: {  	_ =	shalt  }
0x50: {  	_ =	shalt  }
0x51: {  	_ =	shalt  }
0x52: {  	_ =	shalt  }
0x53: {  	_ =	shalt  }
0x54: {  	_ =	shalt  }
0x55: {  	_ =	shalt  }
0x56: {  	_ =	shalt  }
0x57: {  	_ =	shalt  }
0x58: {  	_ =	shalt  }
0x59: {  	_ =	shalt  }
0x5a: {  	_ =	shalt  }
0x5b: {  	_ =	shalt  }
0x5c: {  	_ =	shalt  }
0x5d: {  	_ =	shalt  }
0x5e: {  	_ =	shalt  }
0x5f: {  	_ =	shalt  }
0x60: {  	_ =	shalt  }
0x61: {  	_ =	shalt  }
0x62: {  	_ =	shalt  }
0x63: {  	_ =	shalt  }
0x64: {  	_ =	shalt  }
0x65: {  	_ =	shalt  }
0x66: {  	_ =	shalt  }
0x67: {  	_ =	shalt  }
0x68: {  	_ =	shalt  }
0x69: {  	_ =	shalt  }
0x6a: {  	_ =	shalt  }
0x6b: {  	_ =	shalt  }
0x6c: {  	_ =	shalt  }
0x6d: {  	_ =	shalt  }
0x6e: {  	_ =	shalt  }
0x6f: {  	_ =	shalt  }
0x70: {  	_ =	shalt  }
0x71: {  	_ =	shalt  }
0x72: {  	_ =	shalt  }
0x73: {  	_ =	shalt  }
0x74: {  	_ =	shalt  }
0x75: {  	_ =	shalt  }
0x76: {  	_ =	shalt  }
0x77: {  	_ =	shalt  }
0x78: {  	_ =	shalt  }
0x79: {  	_ =	shalt  }
0x7a: {  	_ =	shalt  }
0x7b: {  	_ =	shalt  }
0x7c: {  	_ =	shalt  }
0x7d: {  	_ =	shalt  }
0x7e: {  	_ =	shalt  }
0x7f: {  	_ =	shalt  }
0x80: {  	_ =	shalt  }
0x81: {  	_ =	shalt  }
0x82: {  	_ =	shalt  }
0x83: {  	_ =	shalt  }
0x84: {  	_ =	shalt  }
0x85: {  	_ =	shalt  }
0x86: {  	_ =	shalt  }
0x87: {  	_ =	shalt  }
.Lfunc_end0:
.L_simem_size_0:
called_computation.2_lowered:
.L_overlay_start_0:
0x88: {  	s2 =	sld [smem:$0x3FD9]  }
0x89: {  	s3 =	sld [smem:$0x3FFE];
	_ =	sdelay $0x1  }
0x8a: {  	s1 =	srdreg.scid  }
0x8b: {  	s0 =	sand.u32 $0x1, s1  }
0x8c: {  	s16 =	sshll.u32 s0, $0xA;
	s2 =	sadd.s32 s3, s2  }
0x8d: {  	s2 =	sadd.s32 s2, s16  }
0x8e: {  	[smem:$0x3FC4] =	sst s2  }
0x8f: {  	_ = 	snop  }
0x90: {  	(tm) =	ssettm $0x1  }
0x91: {  	s17 =	sld [smem:$0x3FFB];
	_ =	sdelay $0x3  }
0x92: {  	_ =	strace s17  }
0x93: {  	s2 =	sld [smem:$0x3FFC];
	_ =	sdelay $0x3  }
0x94: {  	_ =	strace s2  }
0x95: {  	s2 =	sld [smem:$0x3FFD];
	_ =	sdelay $0x3  }
0x96: {  	_ =	strace s2  }
0x97: {  	_ =	strace $0x8FFFFFFF  }
0x98: {  	s18 =	sld [smem:$0x3FDB];
	_ =	sdelay $0x1  }
0x99: {  	s19 =	simm.s32 $_scs_section_size  }
0x9a: {  	s4 =	simm.s32 $_size__tile_overlayer_lowered;
	s5 =	simm.s32 $_tile_overlayer_lowered  }
0x9b: {  	s22 =	simm.s32 $0x1BFF;
	s21 =	sshll.u32 s5, $0x1;
	s2 =	sadd.s32 s19, s18  }
0x9c: {  	s6 =	simm.s32 $0x0;
	s20 =	sshll.u32 s4, $0x1;
	s4 =	sadd.s32 s21, s2  }
0x9d: {  	[timem:s6], [sflag:s22] =	dma.local [hbm:s4], s20  }
0x9e: {  	_ =	swait.ge [sflag:s22], s20  }
0x9f: {  	s3 =	ssub.s32 $0x0, s20;
	[sflag:s22] =	ssyncset.done $0x0  }
0xa0: {  	[sflag:s22] =	ssyncadd.s32 s3;
	_ =	sdelay $0x1  }
0xa1: {  	s23 =	simm.s32 $0x1B8B  }
0xa2: {  	_ =	swait.ge [sflag:s23], $0x1  }
0xa3: {  	[sflag:s23] =	ssyncset.done $0x0  }
0xa4: {  	s25 =	simm.s32 $0x1B8E;
	s24 =	sld [smem:$0x3FFE];
	[sflag:s23] =	ssyncadd.s32 $0xFFFFFFFF  }
0xa5: {  	s26 =	simm.s32 $execute0_lowered;
	[smem:$0x3FD2] =	sst s25  }
0xa6: {  	s4 =	sshll.u32 s26, $0x1;
	_ =	strace $0x8000004C;
	[dreg:$0x1] =	wrdreg $0xFFFFFFFF  }
0xa7: {  	s28 =	simm.s32 $_size_execute0_lowered;
	s2 =	sadd.s32 s2, s4;
	[dreg:$0x0] =	wrdreg $0x0  }
0xa8: {  	s4 =	sshll.u32 s28, $0x1;
	[dreg:$0x2] =	wrdreg s2  }
0xa9: {  	[dreg:$0x3] =	wrdreg s4  }
0xaa: {  	[dreg:$0x4] =	wrdreg $0xC0  }
0xab: {  	_ =	task [dreg:s6], $0x5FFFF  }
0xac: {  	[dreg:$0x1] =	wrdreg $0xFFFFFFFF  }
0xad: {  	[dreg:$0x0] =	wrdreg $0x60  }
0xae: {  	[dreg:$0x2] =	wrdreg s24  }
0xaf: {  	[dreg:$0x3] =	wrdreg $0x9  }
0xb0: {  	_ =	task.clear_ibuf [dreg:s6], $0x4FFFF;
	_ =	strace $0x9000004C  }
0xb1: {  	s29 =	simm.s32 $0x9;
	_ =	strace $0x8000004E  }
0xb2: {  	_ =	swait.ge [sflag:s29], $0x1  }
0xb3: {  	[sflag:s29] =	ssyncadd.s32 $0xFFFFFFFF  }
0xb4: {  	_ =	strace $0x9000004E  }
0xb5: {  	_ =	sfence  }
0xb6: {  	s30 =	sld [smem:$0x0];
	_ =	sdelay $0x2  }
0xb7: {  	s31 =	sshll.u32 s1, $0xD;
	s1 =	sshrl.u32 s1, $0x2  }
0xb8: {  	s3 =	sand.u32 $0x4000, s31;
	s1 =	sadd.s32 s1, s30  }
0xb9: {  	s0 =	sor.u32 s3, s0;
	s1 =	sshll.u32 s1, $0x11  }
0xba: {  	s0 =	sor.u32 s1, s0  }
0xbb: {  	s0 =	sadd.s32 $0x8F2B, s0  }
0xbc: {  	[sflag:s0] =	ssyncadd.remote.s32 $0x1  }
0xbd: {  	_ =	sfence.sel $0xFFFF  }
0xbe: {  	[dreg:$0x0] =	wrdreg $0xFFFFFFFF;
	(pc) =	sbr.abs _section_cstart, $3  }
0xbf: {  	[dreg:$0x1] =	wrdreg $0xFFFFFFFF  }
0xc0: {  	_ =	task.clear_ibuf [dreg:s6], $0x2FFFF;
	_ =	strace $0x9FFFFFFF  }
0xc1: {  	(tm) =	ssettm $0x7FFFFFFF  }
tec
execute0_lowered:
.L_overlay_start_1:
0x0: {  	(tag) =	ssettag $0x1  }
0x1: {  	s12 =	rddreg [dreg:$0x0];
	s2 =	srdreg.scid  }
0x2: {  	s0 =	rddreg [dreg:$0x1];
	s1 =	stileid.u32;
	s20 =	sand.u32 $0x1, s2  }
0x3: {  	s2 =	simm.s32 $0x0;
	s3 =	sshll.u32 s1, $0x7;
	s4 =	sshll.u32 s20, $0x6  }
0x4: {  	s19 =	sadd.s32 $0x401800, s12;
	[smem:$0x7FF] =	sst s2;
	s21 =	sor.u32 s4, s3  }
0x5: {  	_ =	strace $0x8000004D;
	s3 =	simm.s32 $0x3;
	s4 =	sadd.s32 s19, s21  }
0x6: {  	[tilespmem:s2], [sflag:$0x3] =	stream.linear.gather [hbm4b:s4+s2], $0x80, $0x38;
	[tilespmem:$0x180] =	vst v63  }
0x7: {  	_ =	swait.ge [sflag:s3], $0x80  }
0x8: {  	[sflag:s3] =	ssyncset.done $0x0  }
0x9: {  	s6 =	simm.s32 $0x80;
	s5 =	sadd.s32 $0x1800, s12;
	[sflag:s3] =	ssyncadd.s32 $0xFFFFFF80  }
0xa: {  	[tilespmem:s6], [sflag:$0x1] =	stream.indirect.gather [hbm4b:s5+s6], $0x1, s2, s6, $0xb8;
	[tilespmem:$0x180] =	vst v63  }
0xb: {  	s8 =	simm.s32 $0x100;
	s9 =	simm.s32 $0x1;
	s7 =	sadd.s32 $0x201800, s12  }
0xc: {  	[tilespmem:s8], [sflag:$0x2] =	stream.indirect.gather [hbm4b:s7+s6], $0x1, s2, s6, $0xb8;
	[tilespmem:$0x180] =	vst v63  }
0xd: {  	_ =	swait.ge [sflag:s9], $0x80  }
0xe: {  	[sflag:s9] =	ssyncset.done $0x0  }
0xf: {  	s10 =	simm.s32 $0x2;
	[sflag:s9] =	ssyncadd.s32 $0xFFFFFF80  }
0x10: {  	_ =	swait.ge [sflag:s10], $0x80  }
0x11: {  	s23 =	sadd.s32 $0x402000, s12;
	[sflag:s10] =	ssyncset.done $0x0  }
0x12: {  	s11 =	sadd.s32 s23, s21;
	[sflag:s10] =	ssyncadd.s32 $0xFFFFFF80  }
0x13: {  	[hbm4b:s11+s2] =	stream.linear.scatter [tilespmem:s6], [sflag:$0x3], $0x80, $0x38;
	[tilespmem:$0x180] =	vst v63  }
0x14: {  	_ =	swait.ge [sflag:s3], $0x80  }
0x15: {  	s22 =	sadd.s32 $0x402800, s12;
	[sflag:s3] =	ssyncset.done $0x0  }
0x16: {  	s12 =	sadd.s32 s22, s21;
	[sflag:s3] =	ssyncadd.s32 $0xFFFFFF80  }
0x17: {  	[hbm4b:s12+s2] =	stream.linear.scatter [tilespmem:s8], [sflag:$0x3], $0x80, $0x38;
	[tilespmem:$0x180] =	vst v63  }
0x18: {  	_ =	swait.ge [sflag:s3], $0x80  }
0x19: {  	s15 =	sor.u32 $0x10, s21;
	[sflag:s3] =	ssyncset.done $0x0  }
0x1a: {  	s13 =	sadd.s32 s19, s15;
	[sflag:s3] =	ssyncadd.s32 $0xFFFFFF80  }
0x1b: {  	[tilespmem:s2], [sflag:$0x3] =	stream.linear.gather [hbm4b:s13+s2], $0x80, $0x38;
	[tilespmem:$0x180] =	vst v63  }
0x1c: {  	_ =	swait.ge [sflag:s3], $0x80  }
0x1d: {  	[sflag:s3] =	ssyncset.done $0x0  }
0x1e: {  	[sflag:s3] =	ssyncadd.s32 $0xFFFFFF80  }
0x1f: {  	[tilespmem:s6], [sflag:$0x1] =	stream.indirect.gather [hbm4b:s5+s6], $0x1, s2, s6, $0xb8;
	[tilespmem:$0x180] =	vst v63  }
0x20: {  	_ = 	snop  }
0x21: {  	[tilespmem:s8], [sflag:$0x2] =	stream.indirect.gather [hbm4b:s7+s6], $0x1, s2, s6, $0xb8;
	[tilespmem:$0x180] =	vst v63  }
0x22: {  	_ =	swait.ge [sflag:s9], $0x80  }
0x23: {  	[sflag:s9] =	ssyncset.done $0x0  }
0x24: {  	[sflag:s9] =	ssyncadd.s32 $0xFFFFFF80  }
0x25: {  	_ =	swait.ge [sflag:s10], $0x80  }
0x26: {  	[sflag:s10] =	ssyncset.done $0x0  }
0x27: {  	s14 =	sadd.s32 s23, s15;
	[sflag:s10] =	ssyncadd.s32 $0xFFFFFF80  }
0x28: {  	[hbm4b:s14+s2] =	stream.linear.scatter [tilespmem:s6], [sflag:$0x3], $0x80, $0x38;
	[tilespmem:$0x180] =	vst v63  }
0x29: {  	_ =	swait.ge [sflag:s3], $0x80  }
0x2a: {  	[sflag:s3] =	ssyncset.done $0x0  }
0x2b: {  	s15 =	sadd.s32 s22, s15;
	[sflag:s3] =	ssyncadd.s32 $0xFFFFFF80  }
0x2c: {  	[hbm4b:s15+s2] =	stream.linear.scatter [tilespmem:s8], [sflag:$0x3], $0x80, $0x38;
	[tilespmem:$0x180] =	vst v63  }
0x2d: {  	_ =	swait.ge [sflag:s3], $0x80  }
0x2e: {  	s18 =	sor.u32 $0x20, s21;
	[sflag:s3] =	ssyncset.done $0x0  }
0x2f: {  	s16 =	sadd.s32 s19, s18;
	[sflag:s3] =	ssyncadd.s32 $0xFFFFFF80  }
0x30: {  	[tilespmem:s2], [sflag:$0x3] =	stream.linear.gather [hbm4b:s16+s2], $0x80, $0x38;
	[tilespmem:$0x180] =	vst v63  }
0x31: {  	_ =	swait.ge [sflag:s3], $0x80  }
0x32: {  	[sflag:s3] =	ssyncset.done $0x0  }
0x33: {  	[sflag:s3] =	ssyncadd.s32 $0xFFFFFF80  }
0x34: {  	[tilespmem:s6], [sflag:$0x1] =	stream.indirect.gather [hbm4b:s5+s6], $0x1, s2, s6, $0xb8;
	[tilespmem:$0x180] =	vst v63  }
0x35: {  	_ = 	snop  }
0x36: {  	[tilespmem:s8], [sflag:$0x2] =	stream.indirect.gather [hbm4b:s7+s6], $0x1, s2, s6, $0xb8;
	[tilespmem:$0x180] =	vst v63  }
0x37: {  	_ =	swait.ge [sflag:s9], $0x80  }
0x38: {  	[sflag:s9] =	ssyncset.done $0x0  }
0x39: {  	[sflag:s9] =	ssyncadd.s32 $0xFFFFFF80  }
0x3a: {  	_ =	swait.ge [sflag:s10], $0x80  }
0x3b: {  	[sflag:s10] =	ssyncset.done $0x0  }
0x3c: {  	s17 =	sadd.s32 s23, s18;
	[sflag:s10] =	ssyncadd.s32 $0xFFFFFF80  }
0x3d: {  	[hbm4b:s17+s2] =	stream.linear.scatter [tilespmem:s6], [sflag:$0x3], $0x80, $0x38;
	[tilespmem:$0x180] =	vst v63  }
0x3e: {  	_ =	swait.ge [sflag:s3], $0x80  }
0x3f: {  	[sflag:s3] =	ssyncset.done $0x0  }
0x40: {  	s18 =	sadd.s32 s22, s18;
	[sflag:s3] =	ssyncadd.s32 $0xFFFFFF80  }
0x41: {  	[hbm4b:s18+s2] =	stream.linear.scatter [tilespmem:s8], [sflag:$0x3], $0x80, $0x38;
	[tilespmem:$0x180] =	vst v63  }
0x42: {  	_ =	swait.ge [sflag:s3], $0x80  }
0x43: {  	s21 =	sor.u32 $0x30, s21;
	[sflag:s3] =	ssyncset.done $0x0  }
0x44: {  	s19 =	sadd.s32 s19, s21;
	[sflag:s3] =	ssyncadd.s32 $0xFFFFFF80  }
0x45: {  	[tilespmem:s2], [sflag:$0x3] =	stream.linear.gather [hbm4b:s19+s2], $0x80, $0x38;
	[tilespmem:$0x180] =	vst v63  }
0x46: {  	_ =	swait.ge [sflag:s3], $0x80  }
0x47: {  	[sflag:s3] =	ssyncset.done $0x0  }
0x48: {  	[sflag:s3] =	ssyncadd.s32 $0xFFFFFF80  }
0x49: {  	[tilespmem:s6], [sflag:$0x1] =	stream.indirect.gather [hbm4b:s5+s6], $0x1, s2, s6, $0xb8;
	[tilespmem:$0x180] =	vst v63  }
0x4a: {  	_ = 	snop  }
0x4b: {  	[tilespmem:s8], [sflag:$0x2] =	stream.indirect.gather [hbm4b:s7+s6], $0x1, s2, s6, $0xb8;
	[tilespmem:$0x180] =	vst v63  }
0x4c: {  	_ =	swait.ge [sflag:s9], $0x80  }
0x4d: {  	[sflag:s9] =	ssyncset.done $0x0  }
0x4e: {  	s24 =	ssub.s32 $0x2, s20;
	[sflag:s9] =	ssyncadd.s32 $0xFFFFFF80  }
0x4f: {  	s30 =	sshrl.u32 s24, $0x1;
	_ =	swait.ge [sflag:s10], $0x80  }
0x50: {  	s20 =	sadd.s32 s23, s21;
	s23 =	ssub.s32 s24, s30;
	[sflag:s10] =	ssyncset.done $0x0  }
0x51: {  	s31 =	smax.u32 s23, $0x1;
	[sflag:s10] =	ssyncadd.s32 $0xFFFFFF80  }
0x52: {  	[hbm4b:s20+s2] =	stream.linear.scatter [tilespmem:s6], [sflag:$0x3], $0x80, $0x38;
	[tilespmem:$0x180] =	vst v63  }
0x53: {  	p0 =	sne.s32 s31, $0x1;
	_ =	swait.ge [sflag:s3], $0x80  }
.Ltmp0:
0x54: {  	[sflag:s3] =	ssyncset.done $0x0;
	(pc) =	sbr.rel @!p0 .LBB2_2-.Ltmp0, $4  }
0x55: {  	s21 =	sadd.s32 s22, s21;
	[sflag:s3] =	ssyncadd.s32 $0xFFFFFF80  }
0x56: {  	[hbm4b:s21+s2] =	stream.linear.scatter [tilespmem:s8], [sflag:$0x3], $0x80, $0x38;
	[tilespmem:$0x180] =	vst v63  }
0x57: {  	_ =	swait.ge [sflag:s3], $0x80  }
0x58: {  	s22 =	sadd.s32 $0xFFFFFFFF, s31;
	[sflag:s3] =	ssyncset.done $0x0  }
.LBB2_1:
0x59: {  	p0 =	sne.s32 s22, $0x1;
	s22 =	sadd.s32 $0xFFFFFFFF, s22;
	[sflag:s3] =	ssyncadd.s32 $0xFFFFFF80  }
0x5a: {  	[tilespmem:s2], [sflag:$0x3] =	stream.linear.gather [hbm4b:s4+s2], $0x80, $0x38;
	[tilespmem:$0x180] =	vst v63  }
0x5b: {  	_ =	swait.ge [sflag:s3], $0x80  }
0x5c: {  	[sflag:s3] =	ssyncset.done $0x0  }
0x5d: {  	[sflag:s3] =	ssyncadd.s32 $0xFFFFFF80  }
0x5e: {  	[tilespmem:s6], [sflag:$0x1] =	stream.indirect.gather [hbm4b:s5+s6], $0x1, s2, s6, $0xb8;
	[tilespmem:$0x180] =	vst v63  }
0x5f: {  	_ = 	snop  }
0x60: {  	[tilespmem:s8], [sflag:$0x2] =	stream.indirect.gather [hbm4b:s7+s6], $0x1, s2, s6, $0xb8;
	[tilespmem:$0x180] =	vst v63  }
0x61: {  	_ =	swait.ge [sflag:s9], $0x80  }
0x62: {  	[sflag:s9] =	ssyncset.done $0x0  }
0x63: {  	[sflag:s9] =	ssyncadd.s32 $0xFFFFFF80  }
0x64: {  	_ =	swait.ge [sflag:s10], $0x80  }
0x65: {  	[sflag:s10] =	ssyncset.done $0x0  }
0x66: {  	[sflag:s10] =	ssyncadd.s32 $0xFFFFFF80  }
0x67: {  	[hbm4b:s11+s2] =	stream.linear.scatter [tilespmem:s6], [sflag:$0x3], $0x80, $0x38;
	[tilespmem:$0x180] =	vst v63  }
0x68: {  	_ =	swait.ge [sflag:s3], $0x80  }
0x69: {  	[sflag:s3] =	ssyncset.done $0x0  }
0x6a: {  	[sflag:s3] =	ssyncadd.s32 $0xFFFFFF80  }
0x6b: {  	[hbm4b:s12+s2] =	stream.linear.scatter [tilespmem:s8], [sflag:$0x3], $0x80, $0x38;
	[tilespmem:$0x180] =	vst v63  }
0x6c: {  	_ =	swait.ge [sflag:s3], $0x80  }
0x6d: {  	[sflag:s3] =	ssyncset.done $0x0  }
0x6e: {  	[sflag:s3] =	ssyncadd.s32 $0xFFFFFF80  }
0x6f: {  	[tilespmem:s2], [sflag:$0x3] =	stream.linear.gather [hbm4b:s13+s2], $0x80, $0x38;
	[tilespmem:$0x180] =	vst v63  }
0x70: {  	_ =	swait.ge [sflag:s3], $0x80  }
0x71: {  	[sflag:s3] =	ssyncset.done $0x0  }
0x72: {  	[sflag:s3] =	ssyncadd.s32 $0xFFFFFF80  }
0x73: {  	[tilespmem:s6], [sflag:$0x1] =	stream.indirect.gather [hbm4b:s5+s6], $0x1, s2, s6, $0xb8;
	[tilespmem:$0x180] =	vst v63  }
0x74: {  	_ = 	snop  }
0x75: {  	[tilespmem:s8], [sflag:$0x2] =	stream.indirect.gather [hbm4b:s7+s6], $0x1, s2, s6, $0xb8;
	[tilespmem:$0x180] =	vst v63  }
0x76: {  	_ =	swait.ge [sflag:s9], $0x80  }
0x77: {  	[sflag:s9] =	ssyncset.done $0x0  }
0x78: {  	[sflag:s9] =	ssyncadd.s32 $0xFFFFFF80  }
0x79: {  	_ =	swait.ge [sflag:s10], $0x80  }
0x7a: {  	[sflag:s10] =	ssyncset.done $0x0  }
0x7b: {  	[sflag:s10] =	ssyncadd.s32 $0xFFFFFF80  }
0x7c: {  	[hbm4b:s14+s2] =	stream.linear.scatter [tilespmem:s6], [sflag:$0x3], $0x80, $0x38;
	[tilespmem:$0x180] =	vst v63  }
0x7d: {  	_ =	swait.ge [sflag:s3], $0x80  }
0x7e: {  	[sflag:s3] =	ssyncset.done $0x0  }
0x7f: {  	[sflag:s3] =	ssyncadd.s32 $0xFFFFFF80  }
0x80: {  	[hbm4b:s15+s2] =	stream.linear.scatter [tilespmem:s8], [sflag:$0x3], $0x80, $0x38;
	[tilespmem:$0x180] =	vst v63  }
0x81: {  	_ =	swait.ge [sflag:s3], $0x80  }
0x82: {  	[sflag:s3] =	ssyncset.done $0x0  }
0x83: {  	[sflag:s3] =	ssyncadd.s32 $0xFFFFFF80  }
0x84: {  	[tilespmem:s2], [sflag:$0x3] =	stream.linear.gather [hbm4b:s16+s2], $0x80, $0x38;
	[tilespmem:$0x180] =	vst v63  }
0x85: {  	_ =	swait.ge [sflag:s3], $0x80  }
0x86: {  	[sflag:s3] =	ssyncset.done $0x0  }
0x87: {  	[sflag:s3] =	ssyncadd.s32 $0xFFFFFF80  }
0x88: {  	[tilespmem:s6], [sflag:$0x1] =	stream.indirect.gather [hbm4b:s5+s6], $0x1, s2, s6, $0xb8;
	[tilespmem:$0x180] =	vst v63  }
0x89: {  	_ = 	snop  }
0x8a: {  	[tilespmem:s8], [sflag:$0x2] =	stream.indirect.gather [hbm4b:s7+s6], $0x1, s2, s6, $0xb8;
	[tilespmem:$0x180] =	vst v63  }
0x8b: {  	_ =	swait.ge [sflag:s9], $0x80  }
0x8c: {  	[sflag:s9] =	ssyncset.done $0x0  }
0x8d: {  	[sflag:s9] =	ssyncadd.s32 $0xFFFFFF80  }
0x8e: {  	_ =	swait.ge [sflag:s10], $0x80  }
0x8f: {  	[sflag:s10] =	ssyncset.done $0x0  }
0x90: {  	[sflag:s10] =	ssyncadd.s32 $0xFFFFFF80  }
0x91: {  	[hbm4b:s17+s2] =	stream.linear.scatter [tilespmem:s6], [sflag:$0x3], $0x80, $0x38;
	[tilespmem:$0x180] =	vst v63  }
0x92: {  	_ =	swait.ge [sflag:s3], $0x80  }
0x93: {  	[sflag:s3] =	ssyncset.done $0x0  }
0x94: {  	[sflag:s3] =	ssyncadd.s32 $0xFFFFFF80  }
0x95: {  	[hbm4b:s18+s2] =	stream.linear.scatter [tilespmem:s8], [sflag:$0x3], $0x80, $0x38;
	[tilespmem:$0x180] =	vst v63  }
0x96: {  	_ =	swait.ge [sflag:s3], $0x80  }
0x97: {  	[sflag:s3] =	ssyncset.done $0x0  }
0x98: {  	[sflag:s3] =	ssyncadd.s32 $0xFFFFFF80  }
0x99: {  	[tilespmem:s2], [sflag:$0x3] =	stream.linear.gather [hbm4b:s19+s2], $0x80, $0x38;
	[tilespmem:$0x180] =	vst v63  }
0x9a: {  	_ =	swait.ge [sflag:s3], $0x80  }
0x9b: {  	[sflag:s3] =	ssyncset.done $0x0  }
0x9c: {  	[sflag:s3] =	ssyncadd.s32 $0xFFFFFF80  }
0x9d: {  	[tilespmem:s6], [sflag:$0x1] =	stream.indirect.gather [hbm4b:s5+s6], $0x1, s2, s6, $0xb8;
	[tilespmem:$0x180] =	vst v63  }
0x9e: {  	_ = 	snop  }
0x9f: {  	[tilespmem:s8], [sflag:$0x2] =	stream.indirect.gather [hbm4b:s7+s6], $0x1, s2, s6, $0xb8;
	[tilespmem:$0x180] =	vst v63  }
0xa0: {  	_ =	swait.ge [sflag:s9], $0x80  }
0xa1: {  	[sflag:s9] =	ssyncset.done $0x0  }
0xa2: {  	[sflag:s9] =	ssyncadd.s32 $0xFFFFFF80  }
0xa3: {  	_ =	swait.ge [sflag:s10], $0x80  }
0xa4: {  	[sflag:s10] =	ssyncset.done $0x0  }
0xa5: {  	[sflag:s10] =	ssyncadd.s32 $0xFFFFFF80  }
0xa6: {  	[hbm4b:s20+s2] =	stream.linear.scatter [tilespmem:s6], [sflag:$0x3], $0x80, $0x38;
	[tilespmem:$0x180] =	vst v63  }
0xa7: {  	_ =	swait.ge [sflag:s3], $0x80  }
.Ltmp1:
0xa8: {  	[sflag:s3] =	ssyncset.done $0x0;
	(pc) =	sbr.rel @p0 .LBB2_1-.Ltmp1, $4  }
0xa9: {  	[sflag:s3] =	ssyncadd.s32 $0xFFFFFF80  }
0xaa: {  	[hbm4b:s21+s2] =	stream.linear.scatter [tilespmem:s8], [sflag:$0x3], $0x80, $0x38;
	[tilespmem:$0x180] =	vst v63  }
0xab: {  	_ =	swait.ge [sflag:s3], $0x80  }
0xac: {  	[sflag:s3] =	ssyncset.done $0x0  }
.LBB2_2:
0xad: {  	[sflag:s3] =	ssyncadd.s32 $0xFFFFFF80  }
0xae: {  	_ =	sfence.sel $0x180000  }
0xaf: {  	[bflag:$0x0] =	sbarrier.arrive $0xFFFF  }
0xb0: {  	p0 =	sne.s32 s1, $0x0;
	_ =	strace $0x9000004D  }
0xb1: {  	s0 =	sadd.s32 @!p0 $0x100000, s0;
	[bflag:$0x2] =	sbarrier.arrive $0xFFFF  }
0xb2: {  	[sflag:s0] =	ssyncadd.tile.s32 @!p0 $0x1;
	_ =	shalt  }
.Lfunc_end2:
_tile_overlayer_lowered:
.L_overlay_start_2:
0xb3: {  	(tag) =	ssettag $0x2  }
0xb4: {  	s0 =	rddreg [dreg:$0x0];
	s2 =	stileid.u32  }
0xb5: {  	s1 =	rddreg [dreg:$0x1];
	p0 =	sne.s32 s2, $0x0  }
0xb6: {  	s3 =	rddreg [dreg:$0x2];
	[bflag:$0x3] =	sbarrier.arrive $0xFFFF;
	s2 =	simm.s32 @!p0 $0x1C03  }
0xb7: {  	[timem:s3], [sflag:s2] =	dma.local @!p0 [hbm:s0], s1  }
0xb8: {  	s0 =	simm.s32 @!p0 $0x3  }
0xb9: {  	_ =	swait.ge @!p0 [sflag:s0], s1  }
0xba: {  	s1 =	ssub.s32 @!p0 $0x0, s1;
	[sflag:s0] =	ssyncset.done @!p0 $0x0  }
0xbb: {  	[sflag:s0] =	ssyncadd.s32 @!p0 s1  }
0xbc: {  	[bflag:$0x3] =	sbarrier.arrive $0xFFFF  }
0xbd: {  	_ =	shalt  }

// kernel: sparse-core-data-format-call.1.cloned.1.call-start
scs
called_computation.1_lowered:
.L_overlay_start_0:
0x0: {  	s2 =	sld [smem:$0x3FD9]  }
0x1: {  	s3 =	sld [smem:$0x3FFE];
	_ =	sdelay $0x1  }
0x2: {  	s1 =	srdreg.scid  }
0x3: {  	s0 =	sand.u32 $0x1, s1  }
0x4: {  	s18 =	sshll.u32 s0, $0xA;
	s2 =	sadd.s32 s3, s2  }
0x5: {  	s2 =	sadd.s32 s2, s18  }
0x6: {  	[smem:$0x3FC4] =	sst s2  }
0x7: {  	_ = 	snop  }
0x8: {  	s2 =	sld [smem:$0x3FC9];
	(tm) =	ssettm $0x1  }
0x9: {  	s19 =	sld [smem:$0x3FFB];
	_ =	sdelay $0x3  }
0xa: {  	_ =	strace s19  }
0xb: {  	s3 =	sld [smem:$0x3FFC];
	_ =	sdelay $0x3  }
0xc: {  	_ =	strace s3  }
0xd: {  	s3 =	sld [smem:$0x3FFD];
	_ =	sdelay $0x3  }
0xe: {  	_ =	strace s3  }
0xf: {  	_ =	strace $0x8FFFFFFF  }
0x10: {  	s20 =	sld [smem:$0x3FDB];
	_ =	sdelay $0x1  }
0x11: {  	s4 =	simm.s32 $_scs_section_size  }
0x12: {  	s5 =	simm.s32 $_size__tile_overlayer_lowered;
	s6 =	simm.s32 $_tile_overlayer_lowered  }
0x13: {  	s23 =	simm.s32 $0x1BFF;
	s22 =	sshll.u32 s6, $0x1;
	s3 =	sadd.s32 s4, s20  }
0x14: {  	s7 =	simm.s32 $0x0;
	s21 =	sshll.u32 s5, $0x1;
	s5 =	sadd.s32 s22, s3  }
0x15: {  	[timem:s7], [sflag:s23] =	dma.local [hbm:s5], s21  }
0x16: {  	_ =	swait.ge [sflag:s23], s21  }
0x17: {  	s4 =	ssub.s32 $0x0, s21;
	[sflag:s23] =	ssyncset.done $0x0  }
0x18: {  	[sflag:s23] =	ssyncadd.s32 s4;
	_ =	sdelay $0x1  }
0x19: {  	s24 =	simm.s32 $0x1B8B  }
0x1a: {  	_ =	swait.ge [sflag:s24], $0x1  }
0x1b: {  	[sflag:s24] =	ssyncset.done $0x0  }
0x1c: {  	s26 =	simm.s32 $0x1B8E;
	s25 =	sld [smem:$0x3FFE];
	[sflag:s24] =	ssyncadd.s32 $0xFFFFFFFF  }
0x1d: {  	s27 =	simm.s32 $execute0_lowered;
	[smem:$0x3FD2] =	sst s26  }
0x1e: {  	s5 =	sshll.u32 s27, $0x1;
	_ =	strace $0x80000046;
	[dreg:$0x1] =	wrdreg $0xFFFFFFFF  }
0x1f: {  	s28 =	simm.s32 $_size_execute0_lowered;
	s3 =	sadd.s32 s3, s5;
	[dreg:$0x0] =	wrdreg $0x0  }
0x20: {  	s5 =	sshll.u32 s28, $0x1;
	[dreg:$0x2] =	wrdreg s3  }
0x21: {  	[dreg:$0x3] =	wrdreg s5  }
0x22: {  	[dreg:$0x4] =	wrdreg $0xC0  }
0x23: {  	_ =	task [dreg:s7], $0x5FFFF  }
0x24: {  	[dreg:$0x1] =	wrdreg $0xFFFFFFFF  }
0x25: {  	[dreg:$0x0] =	wrdreg $0x60  }
0x26: {  	[dreg:$0x2] =	wrdreg s2  }
0x27: {  	[dreg:$0x3] =	wrdreg s25  }
0x28: {  	[dreg:$0x4] =	wrdreg $0xA  }
0x29: {  	_ =	task.clear_ibuf [dreg:s7], $0x5FFFF;
	_ =	strace $0x90000046  }
0x2a: {  	s29 =	simm.s32 $0xA;
	_ =	strace $0x80000048  }
0x2b: {  	_ =	swait.ge [sflag:s29], $0x1  }
0x2c: {  	[sflag:s29] =	ssyncadd.s32 $0xFFFFFFFF  }
0x2d: {  	_ =	strace $0x90000048  }
0x2e: {  	_ =	sfence  }
0x2f: {  	s30 =	sld [smem:$0x0];
	_ =	sdelay $0x2  }
0x30: {  	s31 =	sshll.u32 s1, $0xD;
	s1 =	sshrl.u32 s1, $0x2  }
0x31: {  	s3 =	sand.u32 $0x4000, s31;
	s1 =	sadd.s32 s1, s30  }
0x32: {  	s0 =	sor.u32 s3, s0;
	s1 =	sshll.u32 s1, $0x11  }
0x33: {  	s0 =	sor.u32 s1, s0  }
0x34: {  	s0 =	sadd.s32 $0x8F2B, s0  }
0x35: {  	[sflag:s0] =	ssyncadd.remote.s32 $0x1  }
0x36: {  	_ =	sfence.sel $0xFFFF  }
0x37: {  	[dreg:$0x0] =	wrdreg $0xFFFFFFFF;
	(pc) =	sbr.abs _section_cstart, $3  }
0x38: {  	[dreg:$0x1] =	wrdreg $0xFFFFFFFF  }
0x39: {  	_ =	task.clear_ibuf [dreg:s7], $0x2FFFF;
	_ =	strace $0x9FFFFFFF  }
0x3a: {  	(tm) =	ssettm $0x7FFFFFFF  }
0x3b: {  	_ =	shalt  }
tec
execute0_lowered:
.L_overlay_start_1:
0x0: {  	(tag) =	ssettag $0x1  }
0x1: {  	s0 =	srdreg.scid  }
0x2: {  	s1 =	sshll.u32 s0, $0x4  }
0x3: {  	s2 =	rddreg [dreg:$0x0];
	s0 =	stileid.u32;
	s1 =	sand.u32 $0x10, s1  }
0x4: {  	s4 =	rddreg [dreg:$0x1];
	s7 =	simm.s32 $0x1;
	s1 =	sor.u32 s0, s1  }
0x5: {  	s8 =	simm.s32 $0x2;
	s9 =	simm.s32 $0x0;
	s3 =	sshll.u32 s1, $0x1  }
0x6: {  	s12 =	simm.s32 $0x0;
	s11 =	simm.s32 $0x0;
	s6 =	ssub.s32 $0x800, s3  }
.Ltmp0:
0x7: {  	s4 =	sadd.s32 $0x1800, s4;
	s5 =	sand.u32 $0x3E, s6;
	(pc) =	sbr.rel .LBB1_1-.Ltmp0, $4  }
0x8: {  	s1 =	rddreg [dreg:$0x2];
	_ =	strace $0x80000047;
	p0 =	sne.s32 s5, $0x0  }
0x9: {  	s6 =	sshrl.u32 s6, $0x6;
	s5 =	simm.s32 $0x1;
	s7 =	simm.s32 @!p0 $0x0  }
0xa: {  	s10 =	smov.u32 s3;
	[sflag:s5] =	ssyncpa.u1 $0x0;
	s6 =	sadd.s32 s7, s6  }
0xb: {  	[sflag:s8] =	ssyncpa.u1 $0x0;
	s8 =	simm.s32 $0x0;
	s7 =	sadd.s32 $0x1, s6  }
.LBB1_9:
0xc: {  	s14 =	sadd.s32 $0x40, s10  }
0xd: {  	p1 =	sgt.s32 s14, $0x7FF  }
0xe: {  	s14 =	smov.u32 @p1 s3;
	p1 =	sne.s32 s11, s7  }
.Ltmp1:
0xf: {  	p0 =	slt.u32 s11, $0x2;
	(pc) =	sbr.rel @!p1 .LBB1_10-.Ltmp1, $4  }
0x10: {  	s13 =	simm.s32 @!p0 $0x2  }
0x11: {  	s15 =	sadd.s32 $0x1, s11;
	_ =	swait.ge @!p0 [sflag:s13], $0x4000  }
0x12: {  	s12 =	smov.u32 s10;
	s9 =	sadd.s32 $0x4000, s9;
	[sflag:s13] =	ssyncset.done @!p0 $0x0  }
0x13: {  	s11 =	smov.u32 s15;
	s10 =	smov.u32 s14;
	[sflag:s13] =	ssyncadd.s32 @!p0 $0xFFFFC000  }
.LBB1_1:
0x14: {  	p0 =	sge.u32 s11, s6  }
0x15: {  	s13 =	sxor.u32 @!p0 $0xFFFFFFFF, s11  }
0x16: {  	s31 =	sadd.s32 $0xFFFFFFFF, s11;
	s14 =	sshll.u32 @!p0 s10, $0xA;
	s13 =	sshll.u32 @!p0 s13, $0xE  }
0x17: {  	s15 =	simm.s32 @!p0 $0x0;
	s14 =	sadd.s32 @!p0 s2, s14;
	s13 =	sand.u32 @!p0 $0x4000, s13  }
0x18: {  	[tilespmem:s13], [sflag:$0x1] =	stream.linear.gather @!p0 [hbm4b:s14+s15], $0x4000, $0x38;
	[tilespmem:$0x10000] =	vst v63  }
0x19: {  	p0 =	sge.u32 s31, s6  }
.Ltmp2:
0x1a: {  	_ = 	snop;
	(pc) =	sbr.rel @p0 .LBB1_9-.Ltmp2, $1  }
0x1b: {  	_ =	sdelay $0x3  }
0x1c: {  	s13 =	sshll.u32 s9, $0x2  }
0x1d: {  	_ =	swait.ge [sflag:s5], $0x4000;
	s14 =	sshll.u32 s11, $0xE;
	s16 =	simm.s32 $0x0  }
0x1e: {  	p1 =	por $0x1, $0x1;
	s13 =	sand.u32 $0x10000, s13;
	[sflag:s5] =	ssyncset.done $0x0  }
0x1f: {  	s14 =	sand.u32 $0x4000, s14;
	s15 =	sshrl.u32 s13, $0x2;
	[sflag:s5] =	ssyncadd.s32 $0xFFFFC000  }
0x20: {  	s13 =	sor.u32 $0x8000, s14;
	s14 =	sadd.s32 $0x8040, s15;
	s15 =	sadd.s32 $0x40, s15  }
.LBB1_3:
0x21: {  	s16 =	sshll.u32 s16, $0x2  }
0x22: {  	p0 =	por p1, p1;
	s17 =	sshra.s32 s16, $0x2  }
0x23: {  	s18 =	simm.s32 $0x0;
	s16 =	sadd.s32 s17, s14;
	s17 =	sadd.s32 s17, s15  }
.LBB1_4:
0x24: {  	v0 =	vmov s17;
	_ =	sdelay $0x3  }
0x25: {  	s20 =	simm.s32 $0x0  }
0x26: {  	v6 =	vld.idx.msk [tilespmem:v0+s20+$0x30 ss:$0x1], $0xffff  }
0x27: {  	v7 =	vld.idx.msk [tilespmem:v0+s20+$0xFFFFFFC0 ss:$0x1], $0xffff  }
0x28: {  	v5 =	vld.idx.msk [tilespmem:v0+s20+$0xFFFFFFD0 ss:$0x1], $0xffff  }
0x29: {  	v4 =	vld.idx.msk [tilespmem:v0+s20+$0xFFFFFFE0 ss:$0x1], $0xffff  }
0x2a: {  	v3 =	vld.idx.msk [tilespmem:v0+s20+$0xFFFFFFF0 ss:$0x1], $0xffff  }
0x2b: {  	v1 =	vld.idx.msk [tilespmem:v0+s20+$0x0 ss:$0x1], $0xffff  }
0x2c: {  	v2 =	vld.idx.msk [tilespmem:v0+s20+$0x10 ss:$0x1], $0xffff;
	[tilespmem:s16+$0x30] =	vst v6  }
0x2d: {  	s19 =	simm.s32 $0x80;
	s21 =	simm.s32 $0x400;
	[tilespmem:s16+$0xFFFFFFC0] =	vst v7;
	v6 =	vld.idx.msk [tilespmem:v0+s20+$0x20 ss:$0x1], $0xffff;
	s20 =	smov.u32 s16  }
.LBB1_5:
0x2e: {  	p1 =	sne.s32 s21, $0xE00;
	v7 =	vld.idx.msk [tilespmem:v0+s19+$0x30 ss:$0x1], $0xffff;
	[tilespmem:s20+$0xFFFFFFD0] =	vst v5  }
0x2f: {  	v8 =	vld.idx.msk [tilespmem:v0+s19+$0xFFFFFFC0 ss:$0x1], $0xffff;
	[tilespmem:s20+$0xFFFFFFE0] =	vst v4  }
0x30: {  	v5 =	vld.idx.msk [tilespmem:v0+s19+$0xFFFFFFD0 ss:$0x1], $0xffff;
	[tilespmem:s20+$0xFFFFFFF0] =	vst v3  }
.Ltmp3:
0x31: {  	v4 =	vld.idx.msk [tilespmem:v0+s19+$0xFFFFFFE0 ss:$0x1], $0xffff;
	[tilespmem:s20+$0x0] =	vst v1;
	(pc) =	sbr.rel @p1 .LBB1_5-.Ltmp3, $4  }
0x32: {  	v3 =	vld.idx.msk [tilespmem:v0+s19+$0xFFFFFFF0 ss:$0x1], $0xffff;
	[tilespmem:s20+$0x10] =	vst v2  }
0x33: {  	v1 =	vld.idx.msk [tilespmem:v0+s19+$0x0 ss:$0x1], $0xffff;
	[tilespmem:s20+$0x20] =	vst v6;
	s20 =	sadd.s32 $0x400, s20  }
0x34: {  	v2 =	vld.idx.msk [tilespmem:v0+s19+$0x10 ss:$0x1], $0xffff;
	[tilespmem:s20+$0x30] =	vst v7  }
0x35: {  	[tilespmem:s20+$0xFFFFFFC0] =	vst v8;
	v6 =	vld.idx.msk [tilespmem:v0+s19+$0x20 ss:$0x1], $0xffff;
	s19 =	sshra.s32 s21, $0x2;
	s21 =	sadd.s32 $0x200, s21  }
0x36: {  	_ =	sdelay $0x2  }
0x37: {  	[tilespmem:s20+$0xFFFFFFD0] =	vst v5  }
0x38: {  	v56 =	vld.idx.msk [tilespmem:v0+s19+$0x30 ss:$0x1], $0xffff;
	[tilespmem:s20+$0xFFFFFFE0] =	vst v4  }
0x39: {  	v57 =	vld.idx.msk [tilespmem:v0+s19+$0xFFFFFFC0 ss:$0x1], $0xffff;
	[tilespmem:s20+$0xFFFFFFF0] =	vst v3  }
0x3a: {  	v58 =	vld.idx.msk [tilespmem:v0+s19+$0xFFFFFFD0 ss:$0x1], $0xffff;
	[tilespmem:s20+$0x0] =	vst v1  }
0x3b: {  	v59 =	vld.idx.msk [tilespmem:v0+s19+$0xFFFFFFE0 ss:$0x1], $0xffff;
	[tilespmem:s20+$0x10] =	vst v2  }
0x3c: {  	v60 =	vld.idx.msk [tilespmem:v0+s19+$0xFFFFFFF0 ss:$0x1], $0xffff;
	s31 =	sadd.s32 $0x400, s20;
	[tilespmem:s20+$0x20] =	vst v6  }
0x3d: {  	v61 =	vld.idx.msk [tilespmem:v0+s19+$0x0 ss:$0x1], $0xffff;
	[tilespmem:s31+$0x30] =	vst v56  }
0x3e: {  	v62 =	vld.idx.msk [tilespmem:v0+s19+$0x10 ss:$0x1], $0xffff;
	s18 =	sadd.s32 $0x1, s18;
	[tilespmem:s31+$0xFFFFFFC0] =	vst v57  }
0x3f: {  	v63 =	vld.idx.msk [tilespmem:v0+s19+$0x20 ss:$0x1], $0xffff;
	p1 =	sne.s32 s18, $0x8;
	[tilespmem:s31+$0xFFFFFFD0] =	vst v58  }
.Ltmp4:
0x40: {  	[tilespmem:s31+$0xFFFFFFE0] =	vst v59;
	(pc) =	sbr.rel @p1 .LBB1_4-.Ltmp4, $4  }
0x41: {  	[tilespmem:s31+$0xFFFFFFF0] =	vst v60  }
0x42: {  	[tilespmem:s31+$0x0] =	vst v61  }
0x43: {  	[tilespmem:s31+$0x10] =	vst v62  }
0x44: {  	s16 =	sadd.s32 $0x80, s16;
	s17 =	sadd.s32 $0x400, s17;
	[tilespmem:s31+$0x20] =	vst v63  }
.Ltmp5:
0x45: {  	(pc) =	sbr.rel @p0 .LBB1_3-.Ltmp5, $2  }
0x46: {  	_ =	sdelay $0x2  }
0x47: {  	s16 =	simm.s32 $0x2000;
	p1 =	por $0x0, $0x0  }
.Ltmp6:
0x48: {  	(pc) =	sbr.rel .LBB1_9-.Ltmp6, $4  }
0x49: {  	_ = 	snop  }
0x4a: {  	s12 =	sshll.u32 s12, $0xA  }
0x4b: {  	s12 =	sadd.s32 s4, s12  }
0x4c: {  	[hbm4b:s12+s8] =	stream.linear.scatter [tilespmem:s13], [sflag:$0x2], $0x4000, $0x38;
	[tilespmem:$0x10000] =	vst v63  }
.LBB1_10:
0x4d: {  	_ =	sfence.sel $0x180000  }
0x4e: {  	s2 =	simm.s32 $0x1;
	[bflag:$0x0] =	sbarrier.arrive $0xFFFF  }
0x4f: {  	s31 =	simm.s32 $0x2;
	[sflag:s2] =	ssyncpa.u1 $0x1  }
0x50: {  	[sflag:s31] =	ssyncpa.u1 $0x1  }
0x51: {  	p0 =	sne.s32 s0, $0x0;
	_ =	strace $0x90000047  }
0x52: {  	s0 =	sadd.s32 @!p0 $0x100000, s1;
	[bflag:$0x2] =	sbarrier.arrive $0xFFFF  }
0x53: {  	[sflag:s0] =	ssyncadd.tile.s32 @!p0 $0x1;
	_ =	shalt  }
.Lfunc_end1:
_tile_overlayer_lowered:
.L_overlay_start_2:
0x54: {  	(tag) =	ssettag $0x2  }
0x55: {  	s0 =	rddreg [dreg:$0x0];
	s2 =	stileid.u32  }
0x56: {  	s1 =	rddreg [dreg:$0x1];
	p0 =	sne.s32 s2, $0x0  }
0x57: {  	s3 =	rddreg [dreg:$0x2];
	[bflag:$0x3] =	sbarrier.arrive $0xFFFF;
	s2 =	simm.s32 @!p0 $0x1C01  }
0x58: {  	[timem:s3], [sflag:s2] =	dma.local @!p0 [hbm:s0], s1  }
0x59: {  	s0 =	simm.s32 @!p0 $0x1  }
0x5a: {  	_ =	swait.ge @!p0 [sflag:s0], s1  }
0x5b: {  	s1 =	ssub.s32 @!p0 $0x0, s1;
	[sflag:s0] =	ssyncset.done @!p0 $0x0  }
0x5c: {  	[sflag:s0] =	ssyncadd.s32 @!p0 s1  }
0x5d: {  	[bflag:$0x3] =	sbarrier.arrive $0xFFFF  }
0x5e: {  	_ =	shalt  }

// kernel: sparse-core-data-format-call.cloned.1.call-start
scs
called_computation_lowered:
.L_overlay_start_0:
0x0: {  	s2 =	sld [smem:$0x3FD9]  }
0x1: {  	s3 =	sld [smem:$0x3FFE];
	_ =	sdelay $0x1  }
0x2: {  	s1 =	srdreg.scid  }
0x3: {  	s0 =	sand.u32 $0x1, s1  }
0x4: {  	s18 =	sshll.u32 s0, $0xA;
	s2 =	sadd.s32 s3, s2  }
0x5: {  	s2 =	sadd.s32 s2, s18  }
0x6: {  	[smem:$0x3FC4] =	sst s2  }
0x7: {  	_ = 	snop  }
0x8: {  	s19 =	sld [smem:$0x3FC8];
	(tm) =	ssettm $0x1  }
0x9: {  	s20 =	sld [smem:$0x3FFB];
	_ =	sdelay $0x3  }
0xa: {  	_ =	strace s20  }
0xb: {  	s2 =	sld [smem:$0x3FFC];
	_ =	sdelay $0x3  }
0xc: {  	_ =	strace s2  }
0xd: {  	s2 =	sld [smem:$0x3FFD];
	_ =	sdelay $0x3  }
0xe: {  	_ =	strace s2  }
0xf: {  	_ =	strace $0x8FFFFFFF  }
0x10: {  	s21 =	sld [smem:$0x3FDB];
	_ =	sdelay $0x1  }
0x11: {  	s4 =	simm.s32 $_scs_section_size  }
0x12: {  	s5 =	simm.s32 $_size__tile_overlayer_lowered;
	s6 =	simm.s32 $_tile_overlayer_lowered  }
0x13: {  	s7 =	simm.s32 $0x1BFF;
	s22 =	sshll.u32 s6, $0x1;
	s4 =	sadd.s32 s4, s21  }
0x14: {  	s23 =	simm.s32 $0x0;
	s5 =	sshll.u32 s5, $0x1;
	s6 =	sadd.s32 s22, s4  }
0x15: {  	[timem:s23], [sflag:s7] =	dma.local [hbm:s6], s5  }
0x16: {  	_ =	swait.ge [sflag:s7], s5  }
0x17: {  	s5 =	ssub.s32 $0x0, s5;
	[sflag:s7] =	ssyncset.done $0x0  }
0x18: {  	[sflag:s7] =	ssyncadd.s32 s5;
	_ =	sdelay $0x1  }
0x19: {  	s24 =	simm.s32 $0x1B8B  }
0x1a: {  	_ =	swait.ge [sflag:s24], $0x1  }
0x1b: {  	[sflag:s24] =	ssyncset.done $0x0  }
0x1c: {  	[sflag:s24] =	ssyncadd.s32 $0xFFFFFFFF  }
0x1d: {  	s5 =	sld [smem:$0x0]  }
0x1e: {  	s6 =	sand.u32 $0xFFFFFFFE, s1  }
0x1f: {  	p0 =	sne.s32 s1, s6  }
0x20: {  	s6 =	sshll.u32 @p0 s6, $0xE  }
0x21: {  	s6 =	sadd.s32 @p0 $0x11B8D, s6;
	s7 =	sshll.u32 @p0 s5, $0x11  }
0x22: {  	s6 =	sor.u32 @p0 s7, s6  }
0x23: {  	[sflag:s6] =	ssyncadd.remote.s32 @p0 $0x1;
	_ =	sdelay $0x1  }
0x24: {  	s6 =	simm.s32 @p0 $0x1B8D  }
0x25: {  	_ =	swait.eq @p0 [sflag:s6], $0x1  }
0x26: {  	[sflag:s6] =	ssyncadd.s32 @p0 $0xFFFFFFFF  }
0x27: {  	s7 =	sshll.u32 @!p0 s1, $0xE  }
0x28: {  	s7 =	sor.u32 @!p0 $0x4000, s7;
	s6 =	simm.s32 @!p0 $0x1B8D  }
0x29: {  	s5 =	sshll.u32 @!p0 s5, $0x11;
	s7 =	sadd.s32 @!p0 $0x11B8D, s7;
	_ =	swait.eq @!p0 [sflag:s6], $0x1  }
0x2a: {  	s5 =	sor.u32 @!p0 s5, s7;
	[sflag:s6] =	ssyncadd.s32 @!p0 $0xFFFFFFFF  }
0x2b: {  	s26 =	simm.s32 $0x1B8E;
	s25 =	sld [smem:$0x3FFE];
	[sflag:s5] =	ssyncadd.remote.s32 @!p0 $0x1  }
0x2c: {  	s27 =	simm.s32 $execute0_lowered;
	[smem:$0x3FD2] =	sst s26  }
0x2d: {  	s6 =	sshll.u32 s27, $0x1;
	_ =	strace $0x80000049;
	[dreg:$0x1] =	wrdreg $0xFFFFFFFF  }
0x2e: {  	s28 =	simm.s32 $_size_execute0_lowered;
	s4 =	sadd.s32 s4, s6;
	[dreg:$0x0] =	wrdreg $0x0  }
0x2f: {  	s6 =	sshll.u32 s28, $0x1;
	[dreg:$0x2] =	wrdreg s4  }
0x30: {  	[dreg:$0x3] =	wrdreg s6  }
0x31: {  	[dreg:$0x4] =	wrdreg $0xC0  }
0x32: {  	_ =	task [dreg:s23], $0x5FFFF  }
0x33: {  	[dreg:$0x1] =	wrdreg $0xFFFFFFFF  }
0x34: {  	[dreg:$0x0] =	wrdreg $0x60  }
0x35: {  	[dreg:$0x2] =	wrdreg s19  }
0x36: {  	[dreg:$0x3] =	wrdreg s25  }
0x37: {  	[dreg:$0x4] =	wrdreg $0x9  }
0x38: {  	_ =	task.clear_ibuf [dreg:s23], $0x5FFFF;
	_ =	strace $0x90000049  }
0x39: {  	s29 =	simm.s32 $0x9;
	_ =	strace $0x8000004B  }
0x3a: {  	_ =	swait.ge [sflag:s29], $0x1  }
0x3b: {  	[sflag:s29] =	ssyncadd.s32 $0xFFFFFFFF  }
0x3c: {  	_ =	strace $0x9000004B  }
0x3d: {  	_ =	sfence  }
0x3e: {  	s30 =	sld [smem:$0x0];
	_ =	sdelay $0x2  }
0x3f: {  	s31 =	sshll.u32 s1, $0xD;
	s1 =	sshrl.u32 s1, $0x2  }
0x40: {  	s4 =	sand.u32 $0x4000, s31;
	s1 =	sadd.s32 s1, s30  }
0x41: {  	s0 =	sor.u32 s4, s0;
	s1 =	sshll.u32 s1, $0x11  }
0x42: {  	s0 =	sor.u32 s1, s0  }
0x43: {  	s0 =	sadd.s32 $0x8F2B, s0  }
0x44: {  	[sflag:s0] =	ssyncadd.remote.s32 $0x1  }
0x45: {  	_ =	sfence.sel $0xFFFF  }
0x46: {  	[dreg:$0x0] =	wrdreg $0xFFFFFFFF;
	(pc) =	sbr.abs _section_cstart, $3  }
0x47: {  	[dreg:$0x1] =	wrdreg $0xFFFFFFFF  }
0x48: {  	_ =	task.clear_ibuf [dreg:s23], $0x2FFFF;
	_ =	strace $0x9FFFFFFF  }
0x49: {  	(tm) =	ssettm $0x7FFFFFFF  }
tec
execute0_lowered:
.L_overlay_start_1:
0x0: {  	(tag) =	ssettag $0x1  }
0x1: {  	s0 =	srdreg.scid  }
0x2: {  	s1 =	sshll.u32 s0, $0x4  }
0x3: {  	s2 =	rddreg [dreg:$0x0];
	s0 =	stileid.u32;
	s1 =	sand.u32 $0x10, s1  }
0x4: {  	s4 =	rddreg [dreg:$0x1];
	s7 =	simm.s32 $0x1;
	s1 =	sor.u32 s0, s1  }
0x5: {  	s8 =	simm.s32 $0x2;
	s9 =	simm.s32 $0x0;
	s3 =	sshll.u32 s1, $0x1  }
0x6: {  	s12 =	simm.s32 $0x0;
	s11 =	simm.s32 $0x0;
	s6 =	ssub.s32 $0x800, s3  }
.Ltmp0:
0x7: {  	s4 =	sadd.s32 $0x201800, s4;
	s5 =	sand.u32 $0x3E, s6;
	(pc) =	sbr.rel .LBB1_1-.Ltmp0, $4  }
0x8: {  	s1 =	rddreg [dreg:$0x2];
	_ =	strace $0x8000004A;
	p0 =	sne.s32 s5, $0x0  }
0x9: {  	s6 =	sshrl.u32 s6, $0x6;
	s5 =	simm.s32 $0x1;
	s7 =	simm.s32 @!p0 $0x0  }
0xa: {  	s10 =	smov.u32 s3;
	[sflag:s5] =	ssyncpa.u1 $0x0;
	s6 =	sadd.s32 s7, s6  }
0xb: {  	[sflag:s8] =	ssyncpa.u1 $0x0;
	s8 =	simm.s32 $0x0;
	s7 =	sadd.s32 $0x1, s6  }
.LBB1_9:
0xc: {  	s14 =	sadd.s32 $0x40, s10  }
0xd: {  	p1 =	sgt.s32 s14, $0x7FF  }
0xe: {  	s14 =	smov.u32 @p1 s3;
	p1 =	sne.s32 s11, s7  }
.Ltmp1:
0xf: {  	p0 =	slt.u32 s11, $0x2;
	(pc) =	sbr.rel @!p1 .LBB1_10-.Ltmp1, $4  }
0x10: {  	s13 =	simm.s32 @!p0 $0x2  }
0x11: {  	s15 =	sadd.s32 $0x1, s11;
	_ =	swait.ge @!p0 [sflag:s13], $0x4000  }
0x12: {  	s12 =	smov.u32 s10;
	s9 =	sadd.s32 $0x4000, s9;
	[sflag:s13] =	ssyncset.done @!p0 $0x0  }
0x13: {  	s11 =	smov.u32 s15;
	s10 =	smov.u32 s14;
	[sflag:s13] =	ssyncadd.s32 @!p0 $0xFFFFC000  }
.LBB1_1:
0x14: {  	p0 =	sge.u32 s11, s6  }
0x15: {  	s13 =	sxor.u32 @!p0 $0xFFFFFFFF, s11  }
0x16: {  	s31 =	sadd.s32 $0xFFFFFFFF, s11;
	s14 =	sshll.u32 @!p0 s10, $0xA;
	s13 =	sshll.u32 @!p0 s13, $0xE  }
0x17: {  	s15 =	simm.s32 @!p0 $0x0;
	s14 =	sadd.s32 @!p0 s2, s14;
	s13 =	sand.u32 @!p0 $0x4000, s13  }
0x18: {  	[tilespmem:s13], [sflag:$0x1] =	stream.linear.gather @!p0 [hbm4b:s14+s15], $0x4000, $0x38;
	[tilespmem:$0x10000] =	vst v63  }
0x19: {  	p0 =	sge.u32 s31, s6  }
.Ltmp2:
0x1a: {  	_ = 	snop;
	(pc) =	sbr.rel @p0 .LBB1_9-.Ltmp2, $1  }
0x1b: {  	_ =	sdelay $0x3  }
0x1c: {  	s13 =	sshll.u32 s9, $0x2  }
0x1d: {  	_ =	swait.ge [sflag:s5], $0x4000;
	s14 =	sshll.u32 s11, $0xE;
	s16 =	simm.s32 $0x0  }
0x1e: {  	p1 =	por $0x1, $0x1;
	s13 =	sand.u32 $0x10000, s13;
	[sflag:s5] =	ssyncset.done $0x0  }
0x1f: {  	s14 =	sand.u32 $0x4000, s14;
	s15 =	sshrl.u32 s13, $0x2;
	[sflag:s5] =	ssyncadd.s32 $0xFFFFC000  }
0x20: {  	s13 =	sor.u32 $0x8000, s14;
	s14 =	sadd.s32 $0x8040, s15;
	s15 =	sadd.s32 $0x40, s15  }
.LBB1_3:
0x21: {  	s16 =	sshll.u32 s16, $0x2  }
0x22: {  	p0 =	por p1, p1;
	s17 =	sshra.s32 s16, $0x2  }
0x23: {  	s18 =	simm.s32 $0x0;
	s16 =	sadd.s32 s17, s14;
	s17 =	sadd.s32 s17, s15  }
.LBB1_4:
0x24: {  	v0 =	vmov s17;
	_ =	sdelay $0x3  }
0x25: {  	s20 =	simm.s32 $0x0  }
0x26: {  	v6 =	vld.idx.msk [tilespmem:v0+s20+$0x30 ss:$0x1], $0xffff  }
0x27: {  	v7 =	vld.idx.msk [tilespmem:v0+s20+$0xFFFFFFC0 ss:$0x1], $0xffff  }
0x28: {  	v5 =	vld.idx.msk [tilespmem:v0+s20+$0xFFFFFFD0 ss:$0x1], $0xffff  }
0x29: {  	v4 =	vld.idx.msk [tilespmem:v0+s20+$0xFFFFFFE0 ss:$0x1], $0xffff  }
0x2a: {  	v3 =	vld.idx.msk [tilespmem:v0+s20+$0xFFFFFFF0 ss:$0x1], $0xffff  }
0x2b: {  	v1 =	vld.idx.msk [tilespmem:v0+s20+$0x0 ss:$0x1], $0xffff  }
0x2c: {  	v2 =	vld.idx.msk [tilespmem:v0+s20+$0x10 ss:$0x1], $0xffff;
	[tilespmem:s16+$0x30] =	vst v6  }
0x2d: {  	s19 =	simm.s32 $0x80;
	s21 =	simm.s32 $0x400;
	[tilespmem:s16+$0xFFFFFFC0] =	vst v7;
	v6 =	vld.idx.msk [tilespmem:v0+s20+$0x20 ss:$0x1], $0xffff;
	s20 =	smov.u32 s16  }
.LBB1_5:
0x2e: {  	p1 =	sne.s32 s21, $0xE00;
	v7 =	vld.idx.msk [tilespmem:v0+s19+$0x30 ss:$0x1], $0xffff;
	[tilespmem:s20+$0xFFFFFFD0] =	vst v5  }
0x2f: {  	v8 =	vld.idx.msk [tilespmem:v0+s19+$0xFFFFFFC0 ss:$0x1], $0xffff;
	[tilespmem:s20+$0xFFFFFFE0] =	vst v4  }
0x30: {  	v5 =	vld.idx.msk [tilespmem:v0+s19+$0xFFFFFFD0 ss:$0x1], $0xffff;
	[tilespmem:s20+$0xFFFFFFF0] =	vst v3  }
.Ltmp3:
0x31: {  	v4 =	vld.idx.msk [tilespmem:v0+s19+$0xFFFFFFE0 ss:$0x1], $0xffff;
	[tilespmem:s20+$0x0] =	vst v1;
	(pc) =	sbr.rel @p1 .LBB1_5-.Ltmp3, $4  }
0x32: {  	v3 =	vld.idx.msk [tilespmem:v0+s19+$0xFFFFFFF0 ss:$0x1], $0xffff;
	[tilespmem:s20+$0x10] =	vst v2  }
0x33: {  	v1 =	vld.idx.msk [tilespmem:v0+s19+$0x0 ss:$0x1], $0xffff;
	[tilespmem:s20+$0x20] =	vst v6;
	s20 =	sadd.s32 $0x400, s20  }
0x34: {  	v2 =	vld.idx.msk [tilespmem:v0+s19+$0x10 ss:$0x1], $0xffff;
	[tilespmem:s20+$0x30] =	vst v7  }
0x35: {  	[tilespmem:s20+$0xFFFFFFC0] =	vst v8;
	v6 =	vld.idx.msk [tilespmem:v0+s19+$0x20 ss:$0x1], $0xffff;
	s19 =	sshra.s32 s21, $0x2;
	s21 =	sadd.s32 $0x200, s21  }
0x36: {  	_ =	sdelay $0x2  }
0x37: {  	[tilespmem:s20+$0xFFFFFFD0] =	vst v5  }
0x38: {  	v56 =	vld.idx.msk [tilespmem:v0+s19+$0x30 ss:$0x1], $0xffff;
	[tilespmem:s20+$0xFFFFFFE0] =	vst v4  }
0x39: {  	v57 =	vld.idx.msk [tilespmem:v0+s19+$0xFFFFFFC0 ss:$0x1], $0xffff;
	[tilespmem:s20+$0xFFFFFFF0] =	vst v3  }
0x3a: {  	v58 =	vld.idx.msk [tilespmem:v0+s19+$0xFFFFFFD0 ss:$0x1], $0xffff;
	[tilespmem:s20+$0x0] =	vst v1  }
0x3b: {  	v59 =	vld.idx.msk [tilespmem:v0+s19+$0xFFFFFFE0 ss:$0x1], $0xffff;
	[tilespmem:s20+$0x10] =	vst v2  }
0x3c: {  	v60 =	vld.idx.msk [tilespmem:v0+s19+$0xFFFFFFF0 ss:$0x1], $0xffff;
	s31 =	sadd.s32 $0x400, s20;
	[tilespmem:s20+$0x20] =	vst v6  }
0x3d: {  	v61 =	vld.idx.msk [tilespmem:v0+s19+$0x0 ss:$0x1], $0xffff;
	[tilespmem:s31+$0x30] =	vst v56  }
0x3e: {  	v62 =	vld.idx.msk [tilespmem:v0+s19+$0x10 ss:$0x1], $0xffff;
	s18 =	sadd.s32 $0x1, s18;
	[tilespmem:s31+$0xFFFFFFC0] =	vst v57  }
0x3f: {  	v63 =	vld.idx.msk [tilespmem:v0+s19+$0x20 ss:$0x1], $0xffff;
	p1 =	sne.s32 s18, $0x8;
	[tilespmem:s31+$0xFFFFFFD0] =	vst v58  }
.Ltmp4:
0x40: {  	[tilespmem:s31+$0xFFFFFFE0] =	vst v59;
	(pc) =	sbr.rel @p1 .LBB1_4-.Ltmp4, $4  }
0x41: {  	[tilespmem:s31+$0xFFFFFFF0] =	vst v60  }
0x42: {  	[tilespmem:s31+$0x0] =	vst v61  }
0x43: {  	[tilespmem:s31+$0x10] =	vst v62  }
0x44: {  	s16 =	sadd.s32 $0x80, s16;
	s17 =	sadd.s32 $0x400, s17;
	[tilespmem:s31+$0x20] =	vst v63  }
.Ltmp5:
0x45: {  	(pc) =	sbr.rel @p0 .LBB1_3-.Ltmp5, $2  }
0x46: {  	_ =	sdelay $0x2  }
0x47: {  	s16 =	simm.s32 $0x2000;
	p1 =	por $0x0, $0x0  }
.Ltmp6:
0x48: {  	(pc) =	sbr.rel .LBB1_9-.Ltmp6, $4  }
0x49: {  	_ = 	snop  }
0x4a: {  	s12 =	sshll.u32 s12, $0xA  }
0x4b: {  	s12 =	sadd.s32 s4, s12  }
0x4c: {  	[hbm4b:s12+s8] =	stream.linear.scatter [tilespmem:s13], [sflag:$0x2], $0x4000, $0x38;
	[tilespmem:$0x10000] =	vst v63  }
.LBB1_10:
0x4d: {  	_ =	sfence.sel $0x180000  }
0x4e: {  	s2 =	simm.s32 $0x1;
	[bflag:$0x0] =	sbarrier.arrive $0xFFFF  }
0x4f: {  	s31 =	simm.s32 $0x2;
	[sflag:s2] =	ssyncpa.u1 $0x1  }
0x50: {  	[sflag:s31] =	ssyncpa.u1 $0x1  }
0x51: {  	p0 =	sne.s32 s0, $0x0;
	_ =	strace $0x9000004A  }
0x52: {  	s0 =	sadd.s32 @!p0 $0x100000, s1;
	[bflag:$0x2] =	sbarrier.arrive $0xFFFF  }
0x53: {  	[sflag:s0] =	ssyncadd.tile.s32 @!p0 $0x1;
	_ =	shalt  }
.Lfunc_end1:
_tile_overlayer_lowered:
.L_overlay_start_2:
0x54: {  	(tag) =	ssettag $0x2  }
0x55: {  	s0 =	rddreg [dreg:$0x0];
	s2 =	stileid.u32  }
0x56: {  	s1 =	rddreg [dreg:$0x1];
	p0 =	sne.s32 s2, $0x0  }
0x57: {  	s3 =	rddreg [dreg:$0x2];
	[bflag:$0x3] =	sbarrier.arrive $0xFFFF;
	s2 =	simm.s32 @!p0 $0x1C01  }
0x58: {  	[timem:s3], [sflag:s2] =	dma.local @!p0 [hbm:s0], s1  }
0x59: {  	s0 =	simm.s32 @!p0 $0x1  }
0x5a: {  	_ =	swait.ge @!p0 [sflag:s0], s1  }
0x5b: {  	s1 =	ssub.s32 @!p0 $0x0, s1;
	[sflag:s0] =	ssyncset.done @!p0 $0x0  }
0x5c: {  	[sflag:s0] =	ssyncadd.s32 @!p0 s1  }
0x5d: {  	[bflag:$0x3] =	sbarrier.arrive $0xFFFF  }
0x5e: {  	_ =	shalt  }

</sc_bundles>
